<compile_context>
chip_gen: v7x
topology: tpu7x:2x2x1
jax: 0.10.2.dev20260603
libtpu: 0.0.44.dev20260713+nightly
codegen_flags: <defaults>
</compile_context>

<pallas_src>
import dataclasses
import functools

import jax
import jax.numpy as jnp
from jax import lax
from jax.experimental import pallas as pl
from jax.experimental.pallas import tpu as pltpu
from jax.experimental.pallas import tpu_sc as plsc

_LANES = 16
_CHUNKS = 2


@functools.lru_cache(maxsize=None)
def _build_gather(batch: int, vocab: int):
    mesh = plsc.VectorSubcoreMesh(core_axis_name="c", subcore_axis_name="s",
                                  num_cores=1)
    nc, ns = mesh.num_cores, mesh.num_subcores
    nw = nc * ns
    assert batch % (8 * nw) == 0
    b_per_w = batch // nw
    chunk = b_per_w // _CHUNKS
    assert chunk % (8 * _LANES) == 0

    cp = pltpu.CompilerParams()
    if "needs_layout_passes" in pltpu.CompilerParams.__dataclass_fields__:
        cp = dataclasses.replace(cp, needs_layout_passes=False)

    @functools.partial(
        pl.kernel,
        out_type=jax.ShapeDtypeStruct((batch,), jnp.float32),
        mesh=mesh,
        compiler_params=cp,
        scratch_types=[
            pltpu.VMEM((vocab,), jnp.float32),
            pltpu.VMEM((b_per_w,), jnp.int32),
            pltpu.VMEM((b_per_w,), jnp.float32),
            pltpu.SemaphoreType.DMA,
            pltpu.SemaphoreType.DMA,
            pltpu.SemaphoreType.DMA,
        ],
    )
    def lookup(table_hbm, idx_hbm, out_hbm, tab_v, idx_v, out_v,
               sem_t, sem_i, sem_o):
        wid = lax.axis_index("s") * nc + lax.axis_index("c")
        base = wid * b_per_w
        copy_t = pltpu.async_copy(table_hbm, tab_v, sem_t)
        copy_i = pltpu.async_copy(idx_hbm.at[pl.ds(base, b_per_w)], idx_v,
                                  sem_i)
        copy_i.wait()
        copy_t.wait()

        out_copies = []
        for c in range(_CHUNKS):
            lo = c * chunk
            for j in range(chunk // _LANES):
                off = lo + j * _LANES
                idx = idx_v[pl.ds(off, _LANES)]
                out_v[pl.ds(off, _LANES)] = plsc.load_gather(tab_v, [idx])
            out_copies.append(
                pltpu.async_copy(out_v.at[pl.ds(lo, chunk)],
                                 out_hbm.at[pl.ds(base + lo, chunk)], sem_o))
        for copy_o in out_copies:
            copy_o.wait()

    return lookup


@jax.jit
def kernel(y, embed_weight):
    batch = y.shape[0]
    vocab = embed_weight.shape[0]
    table = embed_weight.reshape(vocab)
    out = _build_gather(batch, vocab)(table, y.astype(jnp.int32))
    return out.reshape(batch, 1)

# --- scband reference (transcript-rebuilt; emitter-appended) ---
"""Pipeline reference for scband-const-embedding-70385924047489 (READ-ONLY COPY).

The authoritative reference and input builder live on the scoring server;
editing this copy changes nothing except your own understanding.
"""

import jax, jax.numpy as jnp
import numpy as np

N_CLASSES = 1000
BATCH = 16384

def setup_inputs(seed: int = 0) -> dict:
    key = jax.random.key(seed)
    k1, k2 = jax.random.split(key)
    y = jax.random.randint(k1, (BATCH,), 0, N_CLASSES, dtype=jnp.int64 if jax.config.jax_enable_x64 else jnp.int32)
    embed_weight = jax.random.normal(k2, (N_CLASSES, 1), dtype=jnp.float32)
    return {"y": y, "embed_weight": embed_weight}

def reference(y, embed_weight):
    # ConstEmbedding.forward: return self.embed(y) -> gather rows of [n_classes, 1] table
    return jnp.take(embed_weight, y, axis=0)

if __name__ == "__main__":
    import jax
    _d = setup_inputs()
    print(jax.jit(kernel)(*tuple(_d.values())))

</pallas_src>

<mosaic_0001>
#map = affine_map<(d0, d1) -> (0)>
module attributes {stable_mosaic.version = 14 : i64} {
  func.func @lookup(%arg0: i32, %arg1: i32, %arg2: memref<1000xf32, #tpu.memory_space<hbm>>, %arg3: memref<16384xi32, #tpu.memory_space<hbm>>, %arg4: memref<16384xf32, #tpu.memory_space<hbm>>, %arg5: memref<1000xf32, #tpu.memory_space<vmem>>, %arg6: memref<1024xi32, #tpu.memory_space<vmem>>, %arg7: memref<1024xf32, #tpu.memory_space<vmem>>, %arg8: memref<!tpu.dma_semaphore, #tpu.memory_space<semaphore_mem>>, %arg9: memref<!tpu.dma_semaphore, #tpu.memory_space<semaphore_mem>>, %arg10: memref<!tpu.dma_semaphore, #tpu.memory_space<semaphore_mem>>) attributes {dimension_semantics = [#tpu.dimension_semantics<core_parallel>, #tpu.dimension_semantics<subcore_parallel>], iteration_bounds = array<i64: 1, 16>, scalar_prefetch = 0 : i64, scratch_operands = 6 : i64, tpu.core_type = #tpu.core_type<sc_vector_subcore>, window_params = [{transform_indices = #map}, {transform_indices = #map}, {transform_indices = #map}]} {
    %mul3A = arith.constant 1 : i32
    %mul3A_0 = arith.muli %arg1, %mul3A : i32
    %add3A = arith.addi %mul3A_0, %arg0 : i32
    %mul3A_1 = arith.constant 1024 : i32
    %mul3A_2 = arith.muli %add3A, %mul3A_1 : i32
    tpu.enqueue_dma source(%arg2 : memref<1000xf32, #tpu.memory_space<hbm>>) target(%arg5 : memref<1000xf32, #tpu.memory_space<vmem>>) target_semaphore(%arg8 : memref<!tpu.dma_semaphore, #tpu.memory_space<semaphore_mem>>)
    %dma_start3A = tpu.memref_slice %arg3[%mul3A_2] : memref<16384xi32, #tpu.memory_space<hbm>> -> memref<1024xi32, #tpu.memory_space<hbm>>
    %dma_start3A_3 = tpu.memref_slice %arg3[%mul3A_2] : memref<16384xi32, #tpu.memory_space<hbm>> -> memref<1024xi32, #tpu.memory_space<hbm>>
    tpu.enqueue_dma source(%dma_start3A_3 : memref<1024xi32, #tpu.memory_space<hbm>>) target(%arg6 : memref<1024xi32, #tpu.memory_space<vmem>>) target_semaphore(%arg9 : memref<!tpu.dma_semaphore, #tpu.memory_space<semaphore_mem>>)
    %dma_wait3A = tpu.memref_slice %arg3[%mul3A_2] : memref<16384xi32, #tpu.memory_space<hbm>> -> memref<1024xi32, #tpu.memory_space<hbm>>
    %dma_wait3A_4 = tpu.memref_slice %arg3[%mul3A_2] : memref<16384xi32, #tpu.memory_space<hbm>> -> memref<1024xi32, #tpu.memory_space<hbm>>
    tpu.wait_dma2 semaphore(%arg9 : memref<!tpu.dma_semaphore, #tpu.memory_space<semaphore_mem>>) src(%dma_wait3A_4 : memref<1024xi32, #tpu.memory_space<hbm>>) dst(%arg6 : memref<1024xi32, #tpu.memory_space<vmem>>)
    tpu.wait_dma2 semaphore(%arg8 : memref<!tpu.dma_semaphore, #tpu.memory_space<semaphore_mem>>) src(%arg2 : memref<1000xf32, #tpu.memory_space<hbm>>) dst(%arg5 : memref<1000xf32, #tpu.memory_space<vmem>>)
    %get3A = arith.constant 0 : index
    %get3A_5 = tpu.vector_load %arg6[%get3A] {strides = array<i32>} : memref<1024xi32, #tpu.memory_space<vmem>>, vector<16xi32>,
    %gather3A = tpu.vector_load_idx %arg5[%get3A_5] : memref<1000xf32, #tpu.memory_space<vmem>>[vector<16xi32>], vector<16xf32>,
    %swap3A = arith.constant 0 : index
    %swap3A_6 = tpu.vector_load %arg7[%swap3A] {strides = array<i32>} : memref<1024xf32, #tpu.memory_space<vmem>>, vector<16xf32>,
    tpu.vector_store %arg7[%swap3A], %gather3A {strides = array<i32>} : memref<1024xf32, #tpu.memory_space<vmem>>, vector<16xf32>,
    %get3A_7 = arith.constant 16 : index
    %get3A_8 = tpu.vector_load %arg6[%get3A_7] {strides = array<i32>} : memref<1024xi32, #tpu.memory_space<vmem>>, vector<16xi32>,
    %gather3A_9 = tpu.vector_load_idx %arg5[%get3A_8] : memref<1000xf32, #tpu.memory_space<vmem>>[vector<16xi32>], vector<16xf32>,
    %swap3A_10 = arith.constant 16 : index
    %swap3A_11 = tpu.vector_load %arg7[%swap3A_10] {strides = array<i32>} : memref<1024xf32, #tpu.memory_space<vmem>>, vector<16xf32>,
    tpu.vector_store %arg7[%swap3A_10], %gather3A_9 {strides = array<i32>} : memref<1024xf32, #tpu.memory_space<vmem>>, vector<16xf32>,
    %get3A_12 = arith.constant 32 : index
    %get3A_13 = tpu.vector_load %arg6[%get3A_12] {strides = array<i32>} : memref<1024xi32, #tpu.memory_space<vmem>>, vector<16xi32>,
    %gather3A_14 = tpu.vector_load_idx %arg5[%get3A_13] : memref<1000xf32, #tpu.memory_space<vmem>>[vector<16xi32>], vector<16xf32>,
    %swap3A_15 = arith.constant 32 : index
    %swap3A_16 = tpu.vector_load %arg7[%swap3A_15] {strides = array<i32>} : memref<1024xf32, #tpu.memory_space<vmem>>, vector<16xf32>,
    tpu.vector_store %arg7[%swap3A_15], %gather3A_14 {strides = array<i32>} : memref<1024xf32, #tpu.memory_space<vmem>>, vector<16xf32>,
    %get3A_17 = arith.constant 48 : index
    %get3A_18 = tpu.vector_load %arg6[%get3A_17] {strides = array<i32>} : memref<1024xi32, #tpu.memory_space<vmem>>, vector<16xi32>,
    %gather3A_19 = tpu.vector_load_idx %arg5[%get3A_18] : memref<1000xf32, #tpu.memory_space<vmem>>[vector<16xi32>], vector<16xf32>,
    %swap3A_20 = arith.constant 48 : index
    %swap3A_21 = tpu.vector_load %arg7[%swap3A_20] {strides = array<i32>} : memref<1024xf32, #tpu.memory_space<vmem>>, vector<16xf32>,
    tpu.vector_store %arg7[%swap3A_20], %gather3A_19 {strides = array<i32>} : memref<1024xf32, #tpu.memory_space<vmem>>, vector<16xf32>,
    %get3A_22 = arith.constant 64 : index
    %get3A_23 = tpu.vector_load %arg6[%get3A_22] {strides = array<i32>} : memref<1024xi32, #tpu.memory_space<vmem>>, vector<16xi32>,
    %gather3A_24 = tpu.vector_load_idx %arg5[%get3A_23] : memref<1000xf32, #tpu.memory_space<vmem>>[vector<16xi32>], vector<16xf32>,
    %swap3A_25 = arith.constant 64 : index
    %swap3A_26 = tpu.vector_load %arg7[%swap3A_25] {strides = array<i32>} : memref<1024xf32, #tpu.memory_space<vmem>>, vector<16xf32>,
    tpu.vector_store %arg7[%swap3A_25], %gather3A_24 {strides = array<i32>} : memref<1024xf32, #tpu.memory_space<vmem>>, vector<16xf32>,
    %get3A_27 = arith.constant 80 : index
    %get3A_28 = tpu.vector_load %arg6[%get3A_27] {strides = array<i32>} : memref<1024xi32, #tpu.memory_space<vmem>>, vector<16xi32>,
    %gather3A_29 = tpu.vector_load_idx %arg5[%get3A_28] : memref<1000xf32, #tpu.memory_space<vmem>>[vector<16xi32>], vector<16xf32>,
    %swap3A_30 = arith.constant 80 : index
    %swap3A_31 = tpu.vector_load %arg7[%swap3A_30] {strides = array<i32>} : memref<1024xf32, #tpu.memory_space<vmem>>, vector<16xf32>,
    tpu.vector_store %arg7[%swap3A_30], %gather3A_29 {strides = array<i32>} : memref<1024xf32, #tpu.memory_space<vmem>>, vector<16xf32>,
    %get3A_32 = arith.constant 96 : index
    %get3A_33 = tpu.vector_load %arg6[%get3A_32] {strides = array<i32>} : memref<1024xi32, #tpu.memory_space<vmem>>, vector<16xi32>,
    %gather3A_34 = tpu.vector_load_idx %arg5[%get3A_33] : memref<1000xf32, #tpu.memory_space<vmem>>[vector<16xi32>], vector<16xf32>,
    %swap3A_35 = arith.constant 96 : index
    %swap3A_36 = tpu.vector_load %arg7[%swap3A_35] {strides = array<i32>} : memref<1024xf32, #tpu.memory_space<vmem>>, vector<16xf32>,
    tpu.vector_store %arg7[%swap3A_35], %gather3A_34 {strides = array<i32>} : memref<1024xf32, #tpu.memory_space<vmem>>, vector<16xf32>,
    %get3A_37 = arith.constant 112 : index
    %get3A_38 = tpu.vector_load %arg6[%get3A_37] {strides = array<i32>} : memref<1024xi32, #tpu.memory_space<vmem>>, vector<16xi32>,
    %gather3A_39 = tpu.vector_load_idx %arg5[%get3A_38] : memref<1000xf32, #tpu.memory_space<vmem>>[vector<16xi32>], vector<16xf32>,
    %swap3A_40 = arith.constant 112 : index
    %swap3A_41 = tpu.vector_load %arg7[%swap3A_40] {strides = array<i32>} : memref<1024xf32, #tpu.memory_space<vmem>>, vector<16xf32>,
    tpu.vector_store %arg7[%swap3A_40], %gather3A_39 {strides = array<i32>} : memref<1024xf32, #tpu.memory_space<vmem>>, vector<16xf32>,
    %get3A_42 = arith.constant 128 : index
    %get3A_43 = tpu.vector_load %arg6[%get3A_42] {strides = array<i32>} : memref<1024xi32, #tpu.memory_space<vmem>>, vector<16xi32>,
    %gather3A_44 = tpu.vector_load_idx %arg5[%get3A_43] : memref<1000xf32, #tpu.memory_space<vmem>>[vector<16xi32>], vector<16xf32>,
    %swap3A_45 = arith.constant 128 : index
    %swap3A_46 = tpu.vector_load %arg7[%swap3A_45] {strides = array<i32>} : memref<1024xf32, #tpu.memory_space<vmem>>, vector<16xf32>,
    tpu.vector_store %arg7[%swap3A_45], %gather3A_44 {strides = array<i32>} : memref<1024xf32, #tpu.memory_space<vmem>>, vector<16xf32>,
    %get3A_47 = arith.constant 144 : index
    %get3A_48 = tpu.vector_load %arg6[%get3A_47] {strides = array<i32>} : memref<1024xi32, #tpu.memory_space<vmem>>, vector<16xi32>,
    %gather3A_49 = tpu.vector_load_idx %arg5[%get3A_48] : memref<1000xf32, #tpu.memory_space<vmem>>[vector<16xi32>], vector<16xf32>,
    %swap3A_50 = arith.constant 144 : index
    %swap3A_51 = tpu.vector_load %arg7[%swap3A_50] {strides = array<i32>} : memref<1024xf32, #tpu.memory_space<vmem>>, vector<16xf32>,
    tpu.vector_store %arg7[%swap3A_50], %gather3A_49 {strides = array<i32>} : memref<1024xf32, #tpu.memory_space<vmem>>, vector<16xf32>,
    %get3A_52 = arith.constant 160 : index
    %get3A_53 = tpu.vector_load %arg6[%get3A_52] {strides = array<i32>} : memref<1024xi32, #tpu.memory_space<vmem>>, vector<16xi32>,
    %gather3A_54 = tpu.vector_load_idx %arg5[%get3A_53] : memref<1000xf32, #tpu.memory_space<vmem>>[vector<16xi32>], vector<16xf32>,
    %swap3A_55 = arith.constant 160 : index
    %swap3A_56 = tpu.vector_load %arg7[%swap3A_55] {strides = array<i32>} : memref<1024xf32, #tpu.memory_space<vmem>>, vector<16xf32>,
    tpu.vector_store %arg7[%swap3A_55], %gather3A_54 {strides = array<i32>} : memref<1024xf32, #tpu.memory_space<vmem>>, vector<16xf32>,
    %get3A_57 = arith.constant 176 : index
    %get3A_58 = tpu.vector_load %arg6[%get3A_57] {strides = array<i32>} : memref<1024xi32, #tpu.memory_space<vmem>>, vector<16xi32>,
    %gather3A_59 = tpu.vector_load_idx %arg5[%get3A_58] : memref<1000xf32, #tpu.memory_space<vmem>>[vector<16xi32>], vector<16xf32>,
    %swap3A_60 = arith.constant 176 : index
    %swap3A_61 = tpu.vector_load %arg7[%swap3A_60] {strides = array<i32>} : memref<1024xf32, #tpu.memory_space<vmem>>, vector<16xf32>,
    tpu.vector_store %arg7[%swap3A_60], %gather3A_59 {strides = array<i32>} : memref<1024xf32, #tpu.memory_space<vmem>>, vector<16xf32>,
    %get3A_62 = arith.constant 192 : index
    %get3A_63 = tpu.vector_load %arg6[%get3A_62] {strides = array<i32>} : memref<1024xi32, #tpu.memory_space<vmem>>, vector<16xi32>,
    %gather3A_64 = tpu.vector_load_idx %arg5[%get3A_63] : memref<1000xf32, #tpu.memory_space<vmem>>[vector<16xi32>], vector<16xf32>,
    %swap3A_65 = arith.constant 192 : index
    %swap3A_66 = tpu.vector_load %arg7[%swap3A_65] {strides = array<i32>} : memref<1024xf32, #tpu.memory_space<vmem>>, vector<16xf32>,
    tpu.vector_store %arg7[%swap3A_65], %gather3A_64 {strides = array<i32>} : memref<1024xf32, #tpu.memory_space<vmem>>, vector<16xf32>,
    %get3A_67 = arith.constant 208 : index
    %get3A_68 = tpu.vector_load %arg6[%get3A_67] {strides = array<i32>} : memref<1024xi32, #tpu.memory_space<vmem>>, vector<16xi32>,
    %gather3A_69 = tpu.vector_load_idx %arg5[%get3A_68] : memref<1000xf32, #tpu.memory_space<vmem>>[vector<16xi32>], vector<16xf32>,
    %swap3A_70 = arith.constant 208 : index
    %swap3A_71 = tpu.vector_load %arg7[%swap3A_70] {strides = array<i32>} : memref<1024xf32, #tpu.memory_space<vmem>>, vector<16xf32>,
    tpu.vector_store %arg7[%swap3A_70], %gather3A_69 {strides = array<i32>} : memref<1024xf32, #tpu.memory_space<vmem>>, vector<16xf32>,
    %get3A_72 = arith.constant 224 : index
    %get3A_73 = tpu.vector_load %arg6[%get3A_72] {strides = array<i32>} : memref<1024xi32, #tpu.memory_space<vmem>>, vector<16xi32>,
    %gather3A_74 = tpu.vector_load_idx %arg5[%get3A_73] : memref<1000xf32, #tpu.memory_space<vmem>>[vector<16xi32>], vector<16xf32>,
    %swap3A_75 = arith.constant 224 : index
    %swap3A_76 = tpu.vector_load %arg7[%swap3A_75] {strides = array<i32>} : memref<1024xf32, #tpu.memory_space<vmem>>, vector<16xf32>,
    tpu.vector_store %arg7[%swap3A_75], %gather3A_74 {strides = array<i32>} : memref<1024xf32, #tpu.memory_space<vmem>>, vector<16xf32>,
    %get3A_77 = arith.constant 240 : index
    %get3A_78 = tpu.vector_load %arg6[%get3A_77] {strides = array<i32>} : memref<1024xi32, #tpu.memory_space<vmem>>, vector<16xi32>,
    %gather3A_79 = tpu.vector_load_idx %arg5[%get3A_78] : memref<1000xf32, #tpu.memory_space<vmem>>[vector<16xi32>], vector<16xf32>,
    %swap3A_80 = arith.constant 240 : index
    %swap3A_81 = tpu.vector_load %arg7[%swap3A_80] {strides = array<i32>} : memref<1024xf32, #tpu.memory_space<vmem>>, vector<16xf32>,
    tpu.vector_store %arg7[%swap3A_80], %gather3A_79 {strides = array<i32>} : memref<1024xf32, #tpu.memory_space<vmem>>, vector<16xf32>,
    %get3A_82 = arith.constant 256 : index
    %get3A_83 = tpu.vector_load %arg6[%get3A_82] {strides = array<i32>} : memref<1024xi32, #tpu.memory_space<vmem>>, vector<16xi32>,
    %gather3A_84 = tpu.vector_load_idx %arg5[%get3A_83] : memref<1000xf32, #tpu.memory_space<vmem>>[vector<16xi32>], vector<16xf32>,
    %swap3A_85 = arith.constant 256 : index
    %swap3A_86 = tpu.vector_load %arg7[%swap3A_85] {strides = array<i32>} : memref<1024xf32, #tpu.memory_space<vmem>>, vector<16xf32>,
    tpu.vector_store %arg7[%swap3A_85], %gather3A_84 {strides = array<i32>} : memref<1024xf32, #tpu.memory_space<vmem>>, vector<16xf32>,
    %get3A_87 = arith.constant 272 : index
    %get3A_88 = tpu.vector_load %arg6[%get3A_87] {strides = array<i32>} : memref<1024xi32, #tpu.memory_space<vmem>>, vector<16xi32>,
    %gather3A_89 = tpu.vector_load_idx %arg5[%get3A_88] : memref<1000xf32, #tpu.memory_space<vmem>>[vector<16xi32>], vector<16xf32>,
    %swap3A_90 = arith.constant 272 : index
    %swap3A_91 = tpu.vector_load %arg7[%swap3A_90] {strides = array<i32>} : memref<1024xf32, #tpu.memory_space<vmem>>, vector<16xf32>,
    tpu.vector_store %arg7[%swap3A_90], %gather3A_89 {strides = array<i32>} : memref<1024xf32, #tpu.memory_space<vmem>>, vector<16xf32>,
    %get3A_92 = arith.constant 288 : index
    %get3A_93 = tpu.vector_load %arg6[%get3A_92] {strides = array<i32>} : memref<1024xi32, #tpu.memory_space<vmem>>, vector<16xi32>,
    %gather3A_94 = tpu.vector_load_idx %arg5[%get3A_93] : memref<1000xf32, #tpu.memory_space<vmem>>[vector<16xi32>], vector<16xf32>,
    %swap3A_95 = arith.constant 288 : index
    %swap3A_96 = tpu.vector_load %arg7[%swap3A_95] {strides = array<i32>} : memref<1024xf32, #tpu.memory_space<vmem>>, vector<16xf32>,
    tpu.vector_store %arg7[%swap3A_95], %gather3A_94 {strides = array<i32>} : memref<1024xf32, #tpu.memory_space<vmem>>, vector<16xf32>,
    %get3A_97 = arith.constant 304 : index
    %get3A_98 = tpu.vector_load %arg6[%get3A_97] {strides = array<i32>} : memref<1024xi32, #tpu.memory_space<vmem>>, vector<16xi32>,
    %gather3A_99 = tpu.vector_load_idx %arg5[%get3A_98] : memref<1000xf32, #tpu.memory_space<vmem>>[vector<16xi32>], vector<16xf32>,
    %swap3A_100 = arith.constant 304 : index
    %swap3A_101 = tpu.vector_load %arg7[%swap3A_100] {strides = array<i32>} : memref<1024xf32, #tpu.memory_space<vmem>>, vector<16xf32>,
    tpu.vector_store %arg7[%swap3A_100], %gather3A_99 {strides = array<i32>} : memref<1024xf32, #tpu.memory_space<vmem>>, vector<16xf32>,
    %get3A_102 = arith.constant 320 : index
    %get3A_103 = tpu.vector_load %arg6[%get3A_102] {strides = array<i32>} : memref<1024xi32, #tpu.memory_space<vmem>>, vector<16xi32>,
    %gather3A_104 = tpu.vector_load_idx %arg5[%get3A_103] : memref<1000xf32, #tpu.memory_space<vmem>>[vector<16xi32>], vector<16xf32>,
    %swap3A_105 = arith.constant 320 : index
    %swap3A_106 = tpu.vector_load %arg7[%swap3A_105] {strides = array<i32>} : memref<1024xf32, #tpu.memory_space<vmem>>, vector<16xf32>,
    tpu.vector_store %arg7[%swap3A_105], %gather3A_104 {strides = array<i32>} : memref<1024xf32, #tpu.memory_space<vmem>>, vector<16xf32>,
    %get3A_107 = arith.constant 336 : index
    %get3A_108 = tpu.vector_load %arg6[%get3A_107] {strides = array<i32>} : memref<1024xi32, #tpu.memory_space<vmem>>, vector<16xi32>,
    %gather3A_109 = tpu.vector_load_idx %arg5[%get3A_108] : memref<1000xf32, #tpu.memory_space<vmem>>[vector<16xi32>], vector<16xf32>,
    %swap3A_110 = arith.constant 336 : index
    %swap3A_111 = tpu.vector_load %arg7[%swap3A_110] {strides = array<i32>} : memref<1024xf32, #tpu.memory_space<vmem>>, vector<16xf32>,
    tpu.vector_store %arg7[%swap3A_110], %gather3A_109 {strides = array<i32>} : memref<1024xf32, #tpu.memory_space<vmem>>, vector<16xf32>,
    %get3A_112 = arith.constant 352 : index
    %get3A_113 = tpu.vector_load %arg6[%get3A_112] {strides = array<i32>} : memref<1024xi32, #tpu.memory_space<vmem>>, vector<16xi32>,
    %gather3A_114 = tpu.vector_load_idx %arg5[%get3A_113] : memref<1000xf32, #tpu.memory_space<vmem>>[vector<16xi32>], vector<16xf32>,
    %swap3A_115 = arith.constant 352 : index
    %swap3A_116 = tpu.vector_load %arg7[%swap3A_115] {strides = array<i32>} : memref<1024xf32, #tpu.memory_space<vmem>>, vector<16xf32>,
    tpu.vector_store %arg7[%swap3A_115], %gather3A_114 {strides = array<i32>} : memref<1024xf32, #tpu.memory_space<vmem>>, vector<16xf32>,
    %get3A_117 = arith.constant 368 : index
    %get3A_118 = tpu.vector_load %arg6[%get3A_117] {strides = array<i32>} : memref<1024xi32, #tpu.memory_space<vmem>>, vector<16xi32>,
    %gather3A_119 = tpu.vector_load_idx %arg5[%get3A_118] : memref<1000xf32, #tpu.memory_space<vmem>>[vector<16xi32>], vector<16xf32>,
    %swap3A_120 = arith.constant 368 : index
    %swap3A_121 = tpu.vector_load %arg7[%swap3A_120] {strides = array<i32>} : memref<1024xf32, #tpu.memory_space<vmem>>, vector<16xf32>,
    tpu.vector_store %arg7[%swap3A_120], %gather3A_119 {strides = array<i32>} : memref<1024xf32, #tpu.memory_space<vmem>>, vector<16xf32>,
    %get3A_122 = arith.constant 384 : index
    %get3A_123 = tpu.vector_load %arg6[%get3A_122] {strides = array<i32>} : memref<1024xi32, #tpu.memory_space<vmem>>, vector<16xi32>,
    %gather3A_124 = tpu.vector_load_idx %arg5[%get3A_123] : memref<1000xf32, #tpu.memory_space<vmem>>[vector<16xi32>], vector<16xf32>,
    %swap3A_125 = arith.constant 384 : index
    %swap3A_126 = tpu.vector_load %arg7[%swap3A_125] {strides = array<i32>} : memref<1024xf32, #tpu.memory_space<vmem>>, vector<16xf32>,
    tpu.vector_store %arg7[%swap3A_125], %gather3A_124 {strides = array<i32>} : memref<1024xf32, #tpu.memory_space<vmem>>, vector<16xf32>,
    %get3A_127 = arith.constant 400 : index
    %get3A_128 = tpu.vector_load %arg6[%get3A_127] {strides = array<i32>} : memref<1024xi32, #tpu.memory_space<vmem>>, vector<16xi32>,
    %gather3A_129 = tpu.vector_load_idx %arg5[%get3A_128] : memref<1000xf32, #tpu.memory_space<vmem>>[vector<16xi32>], vector<16xf32>,
    %swap3A_130 = arith.constant 400 : index
    %swap3A_131 = tpu.vector_load %arg7[%swap3A_130] {strides = array<i32>} : memref<1024xf32, #tpu.memory_space<vmem>>, vector<16xf32>,
    tpu.vector_store %arg7[%swap3A_130], %gather3A_129 {strides = array<i32>} : memref<1024xf32, #tpu.memory_space<vmem>>, vector<16xf32>,
    %get3A_132 = arith.constant 416 : index
    %get3A_133 = tpu.vector_load %arg6[%get3A_132] {strides = array<i32>} : memref<1024xi32, #tpu.memory_space<vmem>>, vector<16xi32>,
    %gather3A_134 = tpu.vector_load_idx %arg5[%get3A_133] : memref<1000xf32, #tpu.memory_space<vmem>>[vector<16xi32>], vector<16xf32>,
    %swap3A_135 = arith.constant 416 : index
    %swap3A_136 = tpu.vector_load %arg7[%swap3A_135] {strides = array<i32>} : memref<1024xf32, #tpu.memory_space<vmem>>, vector<16xf32>,
    tpu.vector_store %arg7[%swap3A_135], %gather3A_134 {strides = array<i32>} : memref<1024xf32, #tpu.memory_space<vmem>>, vector<16xf32>,
    %get3A_137 = arith.constant 432 : index
    %get3A_138 = tpu.vector_load %arg6[%get3A_137] {strides = array<i32>} : memref<1024xi32, #tpu.memory_space<vmem>>, vector<16xi32>,
    %gather3A_139 = tpu.vector_load_idx %arg5[%get3A_138] : memref<1000xf32, #tpu.memory_space<vmem>>[vector<16xi32>], vector<16xf32>,
    %swap3A_140 = arith.constant 432 : index
    %swap3A_141 = tpu.vector_load %arg7[%swap3A_140] {strides = array<i32>} : memref<1024xf32, #tpu.memory_space<vmem>>, vector<16xf32>,
    tpu.vector_store %arg7[%swap3A_140], %gather3A_139 {strides = array<i32>} : memref<1024xf32, #tpu.memory_space<vmem>>, vector<16xf32>,
    %get3A_142 = arith.constant 448 : index
    %get3A_143 = tpu.vector_load %arg6[%get3A_142] {strides = array<i32>} : memref<1024xi32, #tpu.memory_space<vmem>>, vector<16xi32>,
    %gather3A_144 = tpu.vector_load_idx %arg5[%get3A_143] : memref<1000xf32, #tpu.memory_space<vmem>>[vector<16xi32>], vector<16xf32>,
    %swap3A_145 = arith.constant 448 : index
    %swap3A_146 = tpu.vector_load %arg7[%swap3A_145] {strides = array<i32>} : memref<1024xf32, #tpu.memory_space<vmem>>, vector<16xf32>,
    tpu.vector_store %arg7[%swap3A_145], %gather3A_144 {strides = array<i32>} : memref<1024xf32, #tpu.memory_space<vmem>>, vector<16xf32>,
    %get3A_147 = arith.constant 464 : index
    %get3A_148 = tpu.vector_load %arg6[%get3A_147] {strides = array<i32>} : memref<1024xi32, #tpu.memory_space<vmem>>, vector<16xi32>,
    %gather3A_149 = tpu.vector_load_idx %arg5[%get3A_148] : memref<1000xf32, #tpu.memory_space<vmem>>[vector<16xi32>], vector<16xf32>,
    %swap3A_150 = arith.constant 464 : index
    %swap3A_151 = tpu.vector_load %arg7[%swap3A_150] {strides = array<i32>} : memref<1024xf32, #tpu.memory_space<vmem>>, vector<16xf32>,
    tpu.vector_store %arg7[%swap3A_150], %gather3A_149 {strides = array<i32>} : memref<1024xf32, #tpu.memory_space<vmem>>, vector<16xf32>,
    %get3A_152 = arith.constant 480 : index
    %get3A_153 = tpu.vector_load %arg6[%get3A_152] {strides = array<i32>} : memref<1024xi32, #tpu.memory_space<vmem>>, vector<16xi32>,
    %gather3A_154 = tpu.vector_load_idx %arg5[%get3A_153] : memref<1000xf32, #tpu.memory_space<vmem>>[vector<16xi32>], vector<16xf32>,
    %swap3A_155 = arith.constant 480 : index
    %swap3A_156 = tpu.vector_load %arg7[%swap3A_155] {strides = array<i32>} : memref<1024xf32, #tpu.memory_space<vmem>>, vector<16xf32>,
    tpu.vector_store %arg7[%swap3A_155], %gather3A_154 {strides = array<i32>} : memref<1024xf32, #tpu.memory_space<vmem>>, vector<16xf32>,
    %get3A_157 = arith.constant 496 : index
    %get3A_158 = tpu.vector_load %arg6[%get3A_157] {strides = array<i32>} : memref<1024xi32, #tpu.memory_space<vmem>>, vector<16xi32>,
    %gather3A_159 = tpu.vector_load_idx %arg5[%get3A_158] : memref<1000xf32, #tpu.memory_space<vmem>>[vector<16xi32>], vector<16xf32>,
    %swap3A_160 = arith.constant 496 : index
    %swap3A_161 = tpu.vector_load %arg7[%swap3A_160] {strides = array<i32>} : memref<1024xf32, #tpu.memory_space<vmem>>, vector<16xf32>,
    tpu.vector_store %arg7[%swap3A_160], %gather3A_159 {strides = array<i32>} : memref<1024xf32, #tpu.memory_space<vmem>>, vector<16xf32>,
    %add3A_162 = arith.constant 0 : i32
    %add3A_163 = arith.addi %mul3A_2, %add3A_162 : i32
    %dma_start3A_164 = arith.constant 0 : i32
    %dma_start3A_165 = tpu.memref_slice %arg7[%dma_start3A_164] : memref<1024xf32, #tpu.memory_space<vmem>> -> memref<512xf32, #tpu.memory_space<vmem>>
    %dma_start3A_166 = tpu.memref_slice %arg4[%add3A_163] : memref<16384xf32, #tpu.memory_space<hbm>> -> memref<512xf32, #tpu.memory_space<hbm>>
    %dma_start3A_167 = tpu.memref_slice %arg4[%add3A_163] : memref<16384xf32, #tpu.memory_space<hbm>> -> memref<512xf32, #tpu.memory_space<hbm>>
    %dma_start3A_168 = arith.constant 0 : i32
    %dma_start3A_169 = tpu.memref_slice %arg7[%dma_start3A_168] : memref<1024xf32, #tpu.memory_space<vmem>> -> memref<512xf32, #tpu.memory_space<vmem>>
    tpu.enqueue_dma source(%dma_start3A_169 : memref<512xf32, #tpu.memory_space<vmem>>) target(%dma_start3A_167 : memref<512xf32, #tpu.memory_space<hbm>>) target_semaphore(%arg10 : memref<!tpu.dma_semaphore, #tpu.memory_space<semaphore_mem>>)
    %get3A_170 = arith.constant 512 : index
    %get3A_171 = tpu.vector_load %arg6[%get3A_170] {strides = array<i32>} : memref<1024xi32, #tpu.memory_space<vmem>>, vector<16xi32>,
    %gather3A_172 = tpu.vector_load_idx %arg5[%get3A_171] : memref<1000xf32, #tpu.memory_space<vmem>>[vector<16xi32>], vector<16xf32>,
    %swap3A_173 = arith.constant 512 : index
    %swap3A_174 = tpu.vector_load %arg7[%swap3A_173] {strides = array<i32>} : memref<1024xf32, #tpu.memory_space<vmem>>, vector<16xf32>,
    tpu.vector_store %arg7[%swap3A_173], %gather3A_172 {strides = array<i32>} : memref<1024xf32, #tpu.memory_space<vmem>>, vector<16xf32>,
    %get3A_175 = arith.constant 528 : index
    %get3A_176 = tpu.vector_load %arg6[%get3A_175] {strides = array<i32>} : memref<1024xi32, #tpu.memory_space<vmem>>, vector<16xi32>,
    %gather3A_177 = tpu.vector_load_idx %arg5[%get3A_176] : memref<1000xf32, #tpu.memory_space<vmem>>[vector<16xi32>], vector<16xf32>,
    %swap3A_178 = arith.constant 528 : index
    %swap3A_179 = tpu.vector_load %arg7[%swap3A_178] {strides = array<i32>} : memref<1024xf32, #tpu.memory_space<vmem>>, vector<16xf32>,
    tpu.vector_store %arg7[%swap3A_178], %gather3A_177 {strides = array<i32>} : memref<1024xf32, #tpu.memory_space<vmem>>, vector<16xf32>,
    %get3A_180 = arith.constant 544 : index
    %get3A_181 = tpu.vector_load %arg6[%get3A_180] {strides = array<i32>} : memref<1024xi32, #tpu.memory_space<vmem>>, vector<16xi32>,
    %gather3A_182 = tpu.vector_load_idx %arg5[%get3A_181] : memref<1000xf32, #tpu.memory_space<vmem>>[vector<16xi32>], vector<16xf32>,
    %swap3A_183 = arith.constant 544 : index
    %swap3A_184 = tpu.vector_load %arg7[%swap3A_183] {strides = array<i32>} : memref<1024xf32, #tpu.memory_space<vmem>>, vector<16xf32>,
    tpu.vector_store %arg7[%swap3A_183], %gather3A_182 {strides = array<i32>} : memref<1024xf32, #tpu.memory_space<vmem>>, vector<16xf32>,
    %get3A_185 = arith.constant 560 : index
    %get3A_186 = tpu.vector_load %arg6[%get3A_185] {strides = array<i32>} : memref<1024xi32, #tpu.memory_space<vmem>>, vector<16xi32>,
    %gather3A_187 = tpu.vector_load_idx %arg5[%get3A_186] : memref<1000xf32, #tpu.memory_space<vmem>>[vector<16xi32>], vector<16xf32>,
    %swap3A_188 = arith.constant 560 : index
    %swap3A_189 = tpu.vector_load %arg7[%swap3A_188] {strides = array<i32>} : memref<1024xf32, #tpu.memory_space<vmem>>, vector<16xf32>,
    tpu.vector_store %arg7[%swap3A_188], %gather3A_187 {strides = array<i32>} : memref<1024xf32, #tpu.memory_space<vmem>>, vector<16xf32>,
    %get3A_190 = arith.constant 576 : index
    %get3A_191 = tpu.vector_load %arg6[%get3A_190] {strides = array<i32>} : memref<1024xi32, #tpu.memory_space<vmem>>, vector<16xi32>,
    %gather3A_192 = tpu.vector_load_idx %arg5[%get3A_191] : memref<1000xf32, #tpu.memory_space<vmem>>[vector<16xi32>], vector<16xf32>,
    %swap3A_193 = arith.constant 576 : index
    %swap3A_194 = tpu.vector_load %arg7[%swap3A_193] {strides = array<i32>} : memref<1024xf32, #tpu.memory_space<vmem>>, vector<16xf32>,
    tpu.vector_store %arg7[%swap3A_193], %gather3A_192 {strides = array<i32>} : memref<1024xf32, #tpu.memory_space<vmem>>, vector<16xf32>,
    %get3A_195 = arith.constant 592 : index
    %get3A_196 = tpu.vector_load %arg6[%get3A_195] {strides = array<i32>} : memref<1024xi32, #tpu.memory_space<vmem>>, vector<16xi32>,
    %gather3A_197 = tpu.vector_load_idx %arg5[%get3A_196] : memref<1000xf32, #tpu.memory_space<vmem>>[vector<16xi32>], vector<16xf32>,
    %swap3A_198 = arith.constant 592 : index
    %swap3A_199 = tpu.vector_load %arg7[%swap3A_198] {strides = array<i32>} : memref<1024xf32, #tpu.memory_space<vmem>>, vector<16xf32>,
    tpu.vector_store %arg7[%swap3A_198], %gather3A_197 {strides = array<i32>} : memref<1024xf32, #tpu.memory_space<vmem>>, vector<16xf32>,
    %get3A_200 = arith.constant 608 : index
    %get3A_201 = tpu.vector_load %arg6[%get3A_200] {strides = array<i32>} : memref<1024xi32, #tpu.memory_space<vmem>>, vector<16xi32>,
    %gather3A_202 = tpu.vector_load_idx %arg5[%get3A_201] : memref<1000xf32, #tpu.memory_space<vmem>>[vector<16xi32>], vector<16xf32>,
    %swap3A_203 = arith.constant 608 : index
    %swap3A_204 = tpu.vector_load %arg7[%swap3A_203] {strides = array<i32>} : memref<1024xf32, #tpu.memory_space<vmem>>, vector<16xf32>,
    tpu.vector_store %arg7[%swap3A_203], %gather3A_202 {strides = array<i32>} : memref<1024xf32, #tpu.memory_space<vmem>>, vector<16xf32>,
    %get3A_205 = arith.constant 624 : index
    %get3A_206 = tpu.vector_load %arg6[%get3A_205] {strides = array<i32>} : memref<1024xi32, #tpu.memory_space<vmem>>, vector<16xi32>,
    %gather3A_207 = tpu.vector_load_idx %arg5[%get3A_206] : memref<1000xf32, #tpu.memory_space<vmem>>[vector<16xi32>], vector<16xf32>,
    %swap3A_208 = arith.constant 624 : index
    %swap3A_209 = tpu.vector_load %arg7[%swap3A_208] {strides = array<i32>} : memref<1024xf32, #tpu.memory_space<vmem>>, vector<16xf32>,
    tpu.vector_store %arg7[%swap3A_208], %gather3A_207 {strides = array<i32>} : memref<1024xf32, #tpu.memory_space<vmem>>, vector<16xf32>,
    %get3A_210 = arith.constant 640 : index
    %get3A_211 = tpu.vector_load %arg6[%get3A_210] {strides = array<i32>} : memref<1024xi32, #tpu.memory_space<vmem>>, vector<16xi32>,
    %gather3A_212 = tpu.vector_load_idx %arg5[%get3A_211] : memref<1000xf32, #tpu.memory_space<vmem>>[vector<16xi32>], vector<16xf32>,
    %swap3A_213 = arith.constant 640 : index
    %swap3A_214 = tpu.vector_load %arg7[%swap3A_213] {strides = array<i32>} : memref<1024xf32, #tpu.memory_space<vmem>>, vector<16xf32>,
    tpu.vector_store %arg7[%swap3A_213], %gather3A_212 {strides = array<i32>} : memref<1024xf32, #tpu.memory_space<vmem>>, vector<16xf32>,
    %get3A_215 = arith.constant 656 : index
    %get3A_216 = tpu.vector_load %arg6[%get3A_215] {strides = array<i32>} : memref<1024xi32, #tpu.memory_space<vmem>>, vector<16xi32>,
    %gather3A_217 = tpu.vector_load_idx %arg5[%get3A_216] : memref<1000xf32, #tpu.memory_space<vmem>>[vector<16xi32>], vector<16xf32>,
    %swap3A_218 = arith.constant 656 : index
    %swap3A_219 = tpu.vector_load %arg7[%swap3A_218] {strides = array<i32>} : memref<1024xf32, #tpu.memory_space<vmem>>, vector<16xf32>,
    tpu.vector_store %arg7[%swap3A_218], %gather3A_217 {strides = array<i32>} : memref<1024xf32, #tpu.memory_space<vmem>>, vector<16xf32>,
    %get3A_220 = arith.constant 672 : index
    %get3A_221 = tpu.vector_load %arg6[%get3A_220] {strides = array<i32>} : memref<1024xi32, #tpu.memory_space<vmem>>, vector<16xi32>,
    %gather3A_222 = tpu.vector_load_idx %arg5[%get3A_221] : memref<1000xf32, #tpu.memory_space<vmem>>[vector<16xi32>], vector<16xf32>,
    %swap3A_223 = arith.constant 672 : index
    %swap3A_224 = tpu.vector_load %arg7[%swap3A_223] {strides = array<i32>} : memref<1024xf32, #tpu.memory_space<vmem>>, vector<16xf32>,
    tpu.vector_store %arg7[%swap3A_223], %gather3A_222 {strides = array<i32>} : memref<1024xf32, #tpu.memory_space<vmem>>, vector<16xf32>,
    %get3A_225 = arith.constant 688 : index
    %get3A_226 = tpu.vector_load %arg6[%get3A_225] {strides = array<i32>} : memref<1024xi32, #tpu.memory_space<vmem>>, vector<16xi32>,
    %gather3A_227 = tpu.vector_load_idx %arg5[%get3A_226] : memref<1000xf32, #tpu.memory_space<vmem>>[vector<16xi32>], vector<16xf32>,
    %swap3A_228 = arith.constant 688 : index
    %swap3A_229 = tpu.vector_load %arg7[%swap3A_228] {strides = array<i32>} : memref<1024xf32, #tpu.memory_space<vmem>>, vector<16xf32>,
    tpu.vector_store %arg7[%swap3A_228], %gather3A_227 {strides = array<i32>} : memref<1024xf32, #tpu.memory_space<vmem>>, vector<16xf32>,
    %get3A_230 = arith.constant 704 : index
    %get3A_231 = tpu.vector_load %arg6[%get3A_230] {strides = array<i32>} : memref<1024xi32, #tpu.memory_space<vmem>>, vector<16xi32>,
    %gather3A_232 = tpu.vector_load_idx %arg5[%get3A_231] : memref<1000xf32, #tpu.memory_space<vmem>>[vector<16xi32>], vector<16xf32>,
    %swap3A_233 = arith.constant 704 : index
    %swap3A_234 = tpu.vector_load %arg7[%swap3A_233] {strides = array<i32>} : memref<1024xf32, #tpu.memory_space<vmem>>, vector<16xf32>,
    tpu.vector_store %arg7[%swap3A_233], %gather3A_232 {strides = array<i32>} : memref<1024xf32, #tpu.memory_space<vmem>>, vector<16xf32>,
    %get3A_235 = arith.constant 720 : index
    %get3A_236 = tpu.vector_load %arg6[%get3A_235] {strides = array<i32>} : memref<1024xi32, #tpu.memory_space<vmem>>, vector<16xi32>,
    %gather3A_237 = tpu.vector_load_idx %arg5[%get3A_236] : memref<1000xf32, #tpu.memory_space<vmem>>[vector<16xi32>], vector<16xf32>,
    %swap3A_238 = arith.constant 720 : index
    %swap3A_239 = tpu.vector_load %arg7[%swap3A_238] {strides = array<i32>} : memref<1024xf32, #tpu.memory_space<vmem>>, vector<16xf32>,
    tpu.vector_store %arg7[%swap3A_238], %gather3A_237 {strides = array<i32>} : memref<1024xf32, #tpu.memory_space<vmem>>, vector<16xf32>,
    %get3A_240 = arith.constant 736 : index
    %get3A_241 = tpu.vector_load %arg6[%get3A_240] {strides = array<i32>} : memref<1024xi32, #tpu.memory_space<vmem>>, vector<16xi32>,
    %gather3A_242 = tpu.vector_load_idx %arg5[%get3A_241] : memref<1000xf32, #tpu.memory_space<vmem>>[vector<16xi32>], vector<16xf32>,
    %swap3A_243 = arith.constant 736 : index
    %swap3A_244 = tpu.vector_load %arg7[%swap3A_243] {strides = array<i32>} : memref<1024xf32, #tpu.memory_space<vmem>>, vector<16xf32>,
    tpu.vector_store %arg7[%swap3A_243], %gather3A_242 {strides = array<i32>} : memref<1024xf32, #tpu.memory_space<vmem>>, vector<16xf32>,
    %get3A_245 = arith.constant 752 : index
    %get3A_246 = tpu.vector_load %arg6[%get3A_245] {strides = array<i32>} : memref<1024xi32, #tpu.memory_space<vmem>>, vector<16xi32>,
    %gather3A_247 = tpu.vector_load_idx %arg5[%get3A_246] : memref<1000xf32, #tpu.memory_space<vmem>>[vector<16xi32>], vector<16xf32>,
    %swap3A_248 = arith.constant 752 : index
    %swap3A_249 = tpu.vector_load %arg7[%swap3A_248] {strides = array<i32>} : memref<1024xf32, #tpu.memory_space<vmem>>, vector<16xf32>,
    tpu.vector_store %arg7[%swap3A_248], %gather3A_247 {strides = array<i32>} : memref<1024xf32, #tpu.memory_space<vmem>>, vector<16xf32>,
    %get3A_250 = arith.constant 768 : index
    %get3A_251 = tpu.vector_load %arg6[%get3A_250] {strides = array<i32>} : memref<1024xi32, #tpu.memory_space<vmem>>, vector<16xi32>,
    %gather3A_252 = tpu.vector_load_idx %arg5[%get3A_251] : memref<1000xf32, #tpu.memory_space<vmem>>[vector<16xi32>], vector<16xf32>,
    %swap3A_253 = arith.constant 768 : index
    %swap3A_254 = tpu.vector_load %arg7[%swap3A_253] {strides = array<i32>} : memref<1024xf32, #tpu.memory_space<vmem>>, vector<16xf32>,
    tpu.vector_store %arg7[%swap3A_253], %gather3A_252 {strides = array<i32>} : memref<1024xf32, #tpu.memory_space<vmem>>, vector<16xf32>,
    %get3A_255 = arith.constant 784 : index
    %get3A_256 = tpu.vector_load %arg6[%get3A_255] {strides = array<i32>} : memref<1024xi32, #tpu.memory_space<vmem>>, vector<16xi32>,
    %gather3A_257 = tpu.vector_load_idx %arg5[%get3A_256] : memref<1000xf32, #tpu.memory_space<vmem>>[vector<16xi32>], vector<16xf32>,
    %swap3A_258 = arith.constant 784 : index
    %swap3A_259 = tpu.vector_load %arg7[%swap3A_258] {strides = array<i32>} : memref<1024xf32, #tpu.memory_space<vmem>>, vector<16xf32>,
    tpu.vector_store %arg7[%swap3A_258], %gather3A_257 {strides = array<i32>} : memref<1024xf32, #tpu.memory_space<vmem>>, vector<16xf32>,
    %get3A_260 = arith.constant 800 : index
    %get3A_261 = tpu.vector_load %arg6[%get3A_260] {strides = array<i32>} : memref<1024xi32, #tpu.memory_space<vmem>>, vector<16xi32>,
    %gather3A_262 = tpu.vector_load_idx %arg5[%get3A_261] : memref<1000xf32, #tpu.memory_space<vmem>>[vector<16xi32>], vector<16xf32>,
    %swap3A_263 = arith.constant 800 : index
    %swap3A_264 = tpu.vector_load %arg7[%swap3A_263] {strides = array<i32>} : memref<1024xf32, #tpu.memory_space<vmem>>, vector<16xf32>,
    tpu.vector_store %arg7[%swap3A_263], %gather3A_262 {strides = array<i32>} : memref<1024xf32, #tpu.memory_space<vmem>>, vector<16xf32>,
    %get3A_265 = arith.constant 816 : index
    %get3A_266 = tpu.vector_load %arg6[%get3A_265] {strides = array<i32>} : memref<1024xi32, #tpu.memory_space<vmem>>, vector<16xi32>,
    %gather3A_267 = tpu.vector_load_idx %arg5[%get3A_266] : memref<1000xf32, #tpu.memory_space<vmem>>[vector<16xi32>], vector<16xf32>,
    %swap3A_268 = arith.constant 816 : index
    %swap3A_269 = tpu.vector_load %arg7[%swap3A_268] {strides = array<i32>} : memref<1024xf32, #tpu.memory_space<vmem>>, vector<16xf32>,
    tpu.vector_store %arg7[%swap3A_268], %gather3A_267 {strides = array<i32>} : memref<1024xf32, #tpu.memory_space<vmem>>, vector<16xf32>,
    %get3A_270 = arith.constant 832 : index
    %get3A_271 = tpu.vector_load %arg6[%get3A_270] {strides = array<i32>} : memref<1024xi32, #tpu.memory_space<vmem>>, vector<16xi32>,
    %gather3A_272 = tpu.vector_load_idx %arg5[%get3A_271] : memref<1000xf32, #tpu.memory_space<vmem>>[vector<16xi32>], vector<16xf32>,
    %swap3A_273 = arith.constant 832 : index
    %swap3A_274 = tpu.vector_load %arg7[%swap3A_273] {strides = array<i32>} : memref<1024xf32, #tpu.memory_space<vmem>>, vector<16xf32>,
    tpu.vector_store %arg7[%swap3A_273], %gather3A_272 {strides = array<i32>} : memref<1024xf32, #tpu.memory_space<vmem>>, vector<16xf32>,
    %get3A_275 = arith.constant 848 : index
    %get3A_276 = tpu.vector_load %arg6[%get3A_275] {strides = array<i32>} : memref<1024xi32, #tpu.memory_space<vmem>>, vector<16xi32>,
    %gather3A_277 = tpu.vector_load_idx %arg5[%get3A_276] : memref<1000xf32, #tpu.memory_space<vmem>>[vector<16xi32>], vector<16xf32>,
    %swap3A_278 = arith.constant 848 : index
    %swap3A_279 = tpu.vector_load %arg7[%swap3A_278] {strides = array<i32>} : memref<1024xf32, #tpu.memory_space<vmem>>, vector<16xf32>,
    tpu.vector_store %arg7[%swap3A_278], %gather3A_277 {strides = array<i32>} : memref<1024xf32, #tpu.memory_space<vmem>>, vector<16xf32>,
    %get3A_280 = arith.constant 864 : index
    %get3A_281 = tpu.vector_load %arg6[%get3A_280] {strides = array<i32>} : memref<1024xi32, #tpu.memory_space<vmem>>, vector<16xi32>,
    %gather3A_282 = tpu.vector_load_idx %arg5[%get3A_281] : memref<1000xf32, #tpu.memory_space<vmem>>[vector<16xi32>], vector<16xf32>,
    %swap3A_283 = arith.constant 864 : index
    %swap3A_284 = tpu.vector_load %arg7[%swap3A_283] {strides = array<i32>} : memref<1024xf32, #tpu.memory_space<vmem>>, vector<16xf32>,
    tpu.vector_store %arg7[%swap3A_283], %gather3A_282 {strides = array<i32>} : memref<1024xf32, #tpu.memory_space<vmem>>, vector<16xf32>,
    %get3A_285 = arith.constant 880 : index
    %get3A_286 = tpu.vector_load %arg6[%get3A_285] {strides = array<i32>} : memref<1024xi32, #tpu.memory_space<vmem>>, vector<16xi32>,
    %gather3A_287 = tpu.vector_load_idx %arg5[%get3A_286] : memref<1000xf32, #tpu.memory_space<vmem>>[vector<16xi32>], vector<16xf32>,
    %swap3A_288 = arith.constant 880 : index
    %swap3A_289 = tpu.vector_load %arg7[%swap3A_288] {strides = array<i32>} : memref<1024xf32, #tpu.memory_space<vmem>>, vector<16xf32>,
    tpu.vector_store %arg7[%swap3A_288], %gather3A_287 {strides = array<i32>} : memref<1024xf32, #tpu.memory_space<vmem>>, vector<16xf32>,
    %get3A_290 = arith.constant 896 : index
    %get3A_291 = tpu.vector_load %arg6[%get3A_290] {strides = array<i32>} : memref<1024xi32, #tpu.memory_space<vmem>>, vector<16xi32>,
    %gather3A_292 = tpu.vector_load_idx %arg5[%get3A_291] : memref<1000xf32, #tpu.memory_space<vmem>>[vector<16xi32>], vector<16xf32>,
    %swap3A_293 = arith.constant 896 : index
    %swap3A_294 = tpu.vector_load %arg7[%swap3A_293] {strides = array<i32>} : memref<1024xf32, #tpu.memory_space<vmem>>, vector<16xf32>,
    tpu.vector_store %arg7[%swap3A_293], %gather3A_292 {strides = array<i32>} : memref<1024xf32, #tpu.memory_space<vmem>>, vector<16xf32>,
    %get3A_295 = arith.constant 912 : index
    %get3A_296 = tpu.vector_load %arg6[%get3A_295] {strides = array<i32>} : memref<1024xi32, #tpu.memory_space<vmem>>, vector<16xi32>,
    %gather3A_297 = tpu.vector_load_idx %arg5[%get3A_296] : memref<1000xf32, #tpu.memory_space<vmem>>[vector<16xi32>], vector<16xf32>,
    %swap3A_298 = arith.constant 912 : index
    %swap3A_299 = tpu.vector_load %arg7[%swap3A_298] {strides = array<i32>} : memref<1024xf32, #tpu.memory_space<vmem>>, vector<16xf32>,
    tpu.vector_store %arg7[%swap3A_298], %gather3A_297 {strides = array<i32>} : memref<1024xf32, #tpu.memory_space<vmem>>, vector<16xf32>,
    %get3A_300 = arith.constant 928 : index
    %get3A_301 = tpu.vector_load %arg6[%get3A_300] {strides = array<i32>} : memref<1024xi32, #tpu.memory_space<vmem>>, vector<16xi32>,
    %gather3A_302 = tpu.vector_load_idx %arg5[%get3A_301] : memref<1000xf32, #tpu.memory_space<vmem>>[vector<16xi32>], vector<16xf32>,
    %swap3A_303 = arith.constant 928 : index
    %swap3A_304 = tpu.vector_load %arg7[%swap3A_303] {strides = array<i32>} : memref<1024xf32, #tpu.memory_space<vmem>>, vector<16xf32>,
    tpu.vector_store %arg7[%swap3A_303], %gather3A_302 {strides = array<i32>} : memref<1024xf32, #tpu.memory_space<vmem>>, vector<16xf32>,
    %get3A_305 = arith.constant 944 : index
    %get3A_306 = tpu.vector_load %arg6[%get3A_305] {strides = array<i32>} : memref<1024xi32, #tpu.memory_space<vmem>>, vector<16xi32>,
    %gather3A_307 = tpu.vector_load_idx %arg5[%get3A_306] : memref<1000xf32, #tpu.memory_space<vmem>>[vector<16xi32>], vector<16xf32>,
    %swap3A_308 = arith.constant 944 : index
    %swap3A_309 = tpu.vector_load %arg7[%swap3A_308] {strides = array<i32>} : memref<1024xf32, #tpu.memory_space<vmem>>, vector<16xf32>,
    tpu.vector_store %arg7[%swap3A_308], %gather3A_307 {strides = array<i32>} : memref<1024xf32, #tpu.memory_space<vmem>>, vector<16xf32>,
    %get3A_310 = arith.constant 960 : index
    %get3A_311 = tpu.vector_load %arg6[%get3A_310] {strides = array<i32>} : memref<1024xi32, #tpu.memory_space<vmem>>, vector<16xi32>,
    %gather3A_312 = tpu.vector_load_idx %arg5[%get3A_311] : memref<1000xf32, #tpu.memory_space<vmem>>[vector<16xi32>], vector<16xf32>,
    %swap3A_313 = arith.constant 960 : index
    %swap3A_314 = tpu.vector_load %arg7[%swap3A_313] {strides = array<i32>} : memref<1024xf32, #tpu.memory_space<vmem>>, vector<16xf32>,
    tpu.vector_store %arg7[%swap3A_313], %gather3A_312 {strides = array<i32>} : memref<1024xf32, #tpu.memory_space<vmem>>, vector<16xf32>,
    %get3A_315 = arith.constant 976 : index
    %get3A_316 = tpu.vector_load %arg6[%get3A_315] {strides = array<i32>} : memref<1024xi32, #tpu.memory_space<vmem>>, vector<16xi32>,
    %gather3A_317 = tpu.vector_load_idx %arg5[%get3A_316] : memref<1000xf32, #tpu.memory_space<vmem>>[vector<16xi32>], vector<16xf32>,
    %swap3A_318 = arith.constant 976 : index
    %swap3A_319 = tpu.vector_load %arg7[%swap3A_318] {strides = array<i32>} : memref<1024xf32, #tpu.memory_space<vmem>>, vector<16xf32>,
    tpu.vector_store %arg7[%swap3A_318], %gather3A_317 {strides = array<i32>} : memref<1024xf32, #tpu.memory_space<vmem>>, vector<16xf32>,
    %get3A_320 = arith.constant 992 : index
    %get3A_321 = tpu.vector_load %arg6[%get3A_320] {strides = array<i32>} : memref<1024xi32, #tpu.memory_space<vmem>>, vector<16xi32>,
    %gather3A_322 = tpu.vector_load_idx %arg5[%get3A_321] : memref<1000xf32, #tpu.memory_space<vmem>>[vector<16xi32>], vector<16xf32>,
    %swap3A_323 = arith.constant 992 : index
    %swap3A_324 = tpu.vector_load %arg7[%swap3A_323] {strides = array<i32>} : memref<1024xf32, #tpu.memory_space<vmem>>, vector<16xf32>,
    tpu.vector_store %arg7[%swap3A_323], %gather3A_322 {strides = array<i32>} : memref<1024xf32, #tpu.memory_space<vmem>>, vector<16xf32>,
    %get3A_325 = arith.constant 1008 : index
    %get3A_326 = tpu.vector_load %arg6[%get3A_325] {strides = array<i32>} : memref<1024xi32, #tpu.memory_space<vmem>>, vector<16xi32>,
    %gather3A_327 = tpu.vector_load_idx %arg5[%get3A_326] : memref<1000xf32, #tpu.memory_space<vmem>>[vector<16xi32>], vector<16xf32>,
    %swap3A_328 = arith.constant 1008 : index
    %swap3A_329 = tpu.vector_load %arg7[%swap3A_328] {strides = array<i32>} : memref<1024xf32, #tpu.memory_space<vmem>>, vector<16xf32>,
    tpu.vector_store %arg7[%swap3A_328], %gather3A_327 {strides = array<i32>} : memref<1024xf32, #tpu.memory_space<vmem>>, vector<16xf32>,
    %add3A_330 = arith.constant 512 : i32
    %add3A_331 = arith.addi %mul3A_2, %add3A_330 : i32
    %dma_start3A_332 = arith.constant 512 : i32
    %dma_start3A_333 = tpu.memref_slice %arg7[%dma_start3A_332] : memref<1024xf32, #tpu.memory_space<vmem>> -> memref<512xf32, #tpu.memory_space<vmem>>
    %dma_start3A_334 = tpu.memref_slice %arg4[%add3A_331] : memref<16384xf32, #tpu.memory_space<hbm>> -> memref<512xf32, #tpu.memory_space<hbm>>
    %dma_start3A_335 = tpu.memref_slice %arg4[%add3A_331] : memref<16384xf32, #tpu.memory_space<hbm>> -> memref<512xf32, #tpu.memory_space<hbm>>
    %dma_start3A_336 = arith.constant 512 : i32
    %dma_start3A_337 = tpu.memref_slice %arg7[%dma_start3A_336] : memref<1024xf32, #tpu.memory_space<vmem>> -> memref<512xf32, #tpu.memory_space<vmem>>
    tpu.enqueue_dma source(%dma_start3A_337 : memref<512xf32, #tpu.memory_space<vmem>>) target(%dma_start3A_335 : memref<512xf32, #tpu.memory_space<hbm>>) target_semaphore(%arg10 : memref<!tpu.dma_semaphore, #tpu.memory_space<semaphore_mem>>)
    %dma_wait3A_338 = arith.constant 0 : i32
    %dma_wait3A_339 = tpu.memref_slice %arg7[%dma_wait3A_338] : memref<1024xf32, #tpu.memory_space<vmem>> -> memref<512xf32, #tpu.memory_space<vmem>>
    %dma_wait3A_340 = tpu.memref_slice %arg4[%add3A_163] : memref<16384xf32, #tpu.memory_space<hbm>> -> memref<512xf32, #tpu.memory_space<hbm>>
    %dma_wait3A_341 = tpu.memref_slice %arg4[%add3A_163] : memref<16384xf32, #tpu.memory_space<hbm>> -> memref<512xf32, #tpu.memory_space<hbm>>
    %dma_wait3A_342 = arith.constant 0 : i32
    %dma_wait3A_343 = tpu.memref_slice %arg7[%dma_wait3A_342] : memref<1024xf32, #tpu.memory_space<vmem>> -> memref<512xf32, #tpu.memory_space<vmem>>
    tpu.wait_dma2 semaphore(%arg10 : memref<!tpu.dma_semaphore, #tpu.memory_space<semaphore_mem>>) src(%dma_wait3A_343 : memref<512xf32, #tpu.memory_space<vmem>>) dst(%dma_wait3A_341 : memref<512xf32, #tpu.memory_space<hbm>>)
    %dma_wait3A_344 = arith.constant 512 : i32
    %dma_wait3A_345 = tpu.memref_slice %arg7[%dma_wait3A_344] : memref<1024xf32, #tpu.memory_space<vmem>> -> memref<512xf32, #tpu.memory_space<vmem>>
    %dma_wait3A_346 = tpu.memref_slice %arg4[%add3A_331] : memref<16384xf32, #tpu.memory_space<hbm>> -> memref<512xf32, #tpu.memory_space<hbm>>
    %dma_wait3A_347 = tpu.memref_slice %arg4[%add3A_331] : memref<16384xf32, #tpu.memory_space<hbm>> -> memref<512xf32, #tpu.memory_space<hbm>>
    %dma_wait3A_348 = arith.constant 512 : i32
    %dma_wait3A_349 = tpu.memref_slice %arg7[%dma_wait3A_348] : memref<1024xf32, #tpu.memory_space<vmem>> -> memref<512xf32, #tpu.memory_space<vmem>>
    tpu.wait_dma2 semaphore(%arg10 : memref<!tpu.dma_semaphore, #tpu.memory_space<semaphore_mem>>) src(%dma_wait3A_349 : memref<512xf32, #tpu.memory_space<vmem>>) dst(%dma_wait3A_347 : memref<512xf32, #tpu.memory_space<hbm>>)
    return
  }
}

</mosaic_0001>

<sc_bundles>
// kernel: kernel.3.cloned.1.call-start
scs
__scs_entry_jumppad:
0x0: {  	(pc) =	sbr.rel $0x88, $3  }
0x1: {  	(tag) =	ssettag $0x0;
	lr =	simm.s32 $0x1  }
0x2: {  	[smem:$0x3F9F] =	sst lr;
	_ =	strace $0xD0000000  }
0x3: {  	_ = 	snop  }
0x4: {  	_ = 	snop  }
0x5: {  	_ = 	snop  }
0x6: {  	_ = 	snop  }
0x7: {  	_ = 	snop  }
__scs_overlays_trampoline_lowered:
0x8: {  	[smem:$0x3FAE] =	sst s0  }
0x9: {  	[smem:$0x3FAF] =	sst s1  }
0xa: {  	[smem:$0x3FB0] =	sst s2  }
0xb: {  	[smem:$0x3FB1] =	sst s3  }
0xc: {  	[smem:$0x3FB2] =	sst s4  }
0xd: {  	[smem:$0x3FB3] =	sst s5  }
0xe: {  	[smem:$0x3FB4] =	sst s6  }
0xf: {  	[smem:$0x3FB5] =	sst s7  }
0x10: {  	[smem:$0x3FB6] =	sst s8  }
0x11: {  	[smem:$0x3FB7] =	sst s9;
	s0 =	simm.s32 @!p0 $0x0  }
0x12: {  	s1 =	sld [smem:$0x3F9D];
	s0 =	simm.s32 @p0 $0x1  }
0x13: {  	[smem:$0x3FB8] =	sst s0;
	s0 =	simm.s32 @!p1 $0x0  }
0x14: {  	s2 =	sld [smem:$0x3F9C];
	s0 =	simm.s32 @p1 $0x1  }
0x15: {  	[smem:$0x3FB9] =	sst s0;
	s0 =	simm.s32 @!p2 $0x0  }
0x16: {  	s3 =	sld [smem:$0x3FDB];
	s0 =	simm.s32 @p2 $0x1  }
0x17: {  	s4 =	simm.s32 $0x1BF5;
	[smem:$0x3FBB] =	sst s0  }
0x18: {  	s0 =	sld [smem:$0x3F9E];
	_ =	swait.ge [sflag:s4], $0x0  }
0x19: {  	s7 =	sld [smem:$0x3F9F]  }
0x1a: {  	s8 =	sadd.s32 $0xFFFFE003, lr  }
0x1b: {  	s9 =	sadd.s32 $0xFFFFFEF7, lr;
	s5 =	simm.s32 $0xFFFFFFFF;
	p2 =	slt.u32 s8, $0xFFFFF086  }
0x1c: {  	p1 =	slt.u32 s9, $0xF7A;
	s5 =	simm.s32 @!p2 $0x0  }
0x1d: {  	s5 =	simm.s32 @p1 $0x1;
	p0 =	seq.s32 s7, s2  }
0x1e: {  	s7 =	smul.u32 @!p0 $0xF7A, s2;
	p2 =	seq.s32 @!p0 s5, $0x0  }
0x1f: {  	s9 =	smul.u32 $0xF7A, s1;
	s8 =	simm.s32 @!p0 $0x1BF5;
	p2 =	por !p2, p0  }
0x20: {  	[sflag:s8] =	ssyncset.s32 @!p0 $0xFFFFF086;
	s6 =	sadd.s32 @!p0 s3, s7;
	s7 =	simm.s32 @!p0 $0x108  }
0x21: {  	s3 =	sadd.s32 s3, s9;
	s6 =	sadd.s32 @!p0 $0x88, s6;
	s7 =	simm.s32 @p2 $0x1082  }
0x22: {  	[simem:s7], [sflag:s8] =	dma.local @!p0 [hbm:s6], $0xF7A  }
0x23: {  	s9 =	sor.u32 $0xD0000000, s2;
	s6 =	simm.s32 $0x108;
	_ =	swait.ge @!p0 [sflag:s8], $0x0  }
0x24: {  	s3 =	sadd.s32 $0x88, s3;
	s6 =	simm.s32 @!p1 $0x1082;
	[sflag:s4] =	ssyncset.s32 $0xFFFFF086  }
0x25: {  	[simem:s6], [sflag:s4] =	dma.local [hbm:s3], $0xF7A  }
0x26: {  	[smem:$0x3F9F] =	sst s1;
	(tag) =	ssettag s2;
	_ =	strace s9  }
0x27: {  	s1 =	sld [smem:$0x3FAF]  }
0x28: {  	s2 =	sld [smem:$0x3FB0]  }
0x29: {  	s4 =	sld [smem:$0x3FB2]  }
0x2a: {  	p0 =	seq.s32 s5, $0x0;
	s5 =	sld [smem:$0x3FB3]  }
0x2b: {  	s6 =	sld [smem:$0x3FB4]  }
0x2c: {  	s7 =	sld [smem:$0x3FB5]  }
0x2d: {  	s3 =	simm.s32 $0x108;
	s8 =	sld [smem:$0x3FB6]  }
0x2e: {  	s3 =	simm.s32 @!p0 $0x1082;
	s9 =	sld [smem:$0x3FB7]  }
0x2f: {  	lr =	sadd.s32 s0, s3;
	s0 =	sld [smem:$0x3FAE]  }
0x30: {  	s3 =	sld [smem:$0x3FB1]  }
0x31: {  	[smem:$0x3FBA] =	sst s10  }
0x32: {  	s10 =	sld [smem:$0x3FB8];
	_ =	sdelay $0x3  }
0x33: {  	p0 =	seq.s32 s10, $0x1;
	s10 =	sld [smem:$0x3FBA];
	_ =	sdelay $0x3  }
0x34: {  	[smem:$0x3FBA] =	sst s10  }
0x35: {  	s10 =	sld [smem:$0x3FB9];
	_ =	sdelay $0x3  }
0x36: {  	p1 =	seq.s32 s10, $0x1;
	s10 =	sld [smem:$0x3FBA];
	_ =	sdelay $0x3  }
0x37: {  	[smem:$0x3FBA] =	sst s10  }
0x38: {  	s10 =	sld [smem:$0x3FBB]  }
0x39: {  	_ = 	snop;
	(pc) =	sbr.ind lr, $3  }
0x3a: {  	_ = 	snop  }
0x3b: {  	_ = 	snop  }
0x3c: {  	p2 =	seq.s32 s10, $0x1;
	s10 =	sld [smem:$0x3FBA]  }
0x3d: {  	_ =	shalt  }
0x3e: {  	_ =	shalt  }
0x3f: {  	_ =	shalt  }
0x40: {  	_ =	shalt  }
0x41: {  	_ =	shalt  }
0x42: {  	_ =	shalt  }
0x43: {  	_ =	shalt  }
0x44: {  	_ =	shalt  }
0x45: {  	_ =	shalt  }
0x46: {  	_ =	shalt  }
0x47: {  	_ =	shalt  }
0x48: {  	_ =	shalt  }
0x49: {  	_ =	shalt  }
0x4a: {  	_ =	shalt  }
0x4b: {  	_ =	shalt  }
0x4c: {  	_ =	shalt  }
0x4d: {  	_ =	shalt  }
0x4e: {  	_ =	shalt  }
0x4f: {  	_ =	shalt  }
0x50: {  	_ =	shalt  }
0x51: {  	_ =	shalt  }
0x52: {  	_ =	shalt  }
0x53: {  	_ =	shalt  }
0x54: {  	_ =	shalt  }
0x55: {  	_ =	shalt  }
0x56: {  	_ =	shalt  }
0x57: {  	_ =	shalt  }
0x58: {  	_ =	shalt  }
0x59: {  	_ =	shalt  }
0x5a: {  	_ =	shalt  }
0x5b: {  	_ =	shalt  }
0x5c: {  	_ =	shalt  }
0x5d: {  	_ =	shalt  }
0x5e: {  	_ =	shalt  }
0x5f: {  	_ =	shalt  }
0x60: {  	_ =	shalt  }
0x61: {  	_ =	shalt  }
0x62: {  	_ =	shalt  }
0x63: {  	_ =	shalt  }
0x64: {  	_ =	shalt  }
0x65: {  	_ =	shalt  }
0x66: {  	_ =	shalt  }
0x67: {  	_ =	shalt  }
0x68: {  	_ =	shalt  }
0x69: {  	_ =	shalt  }
0x6a: {  	_ =	shalt  }
0x6b: {  	_ =	shalt  }
0x6c: {  	_ =	shalt  }
0x6d: {  	_ =	shalt  }
0x6e: {  	_ =	shalt  }
0x6f: {  	_ =	shalt  }
0x70: {  	_ =	shalt  }
0x71: {  	_ =	shalt  }
0x72: {  	_ =	shalt  }
0x73: {  	_ =	shalt  }
0x74: {  	_ =	shalt  }
0x75: {  	_ =	shalt  }
0x76: {  	_ =	shalt  }
0x77: {  	_ =	shalt  }
0x78: {  	_ =	shalt  }
0x79: {  	_ =	shalt  }
0x7a: {  	_ =	shalt  }
0x7b: {  	_ =	shalt  }
0x7c: {  	_ =	shalt  }
0x7d: {  	_ =	shalt  }
0x7e: {  	_ =	shalt  }
0x7f: {  	_ =	shalt  }
0x80: {  	_ =	shalt  }
0x81: {  	_ =	shalt  }
0x82: {  	_ =	shalt  }
0x83: {  	_ =	shalt  }
0x84: {  	_ =	shalt  }
0x85: {  	_ =	shalt  }
0x86: {  	_ =	shalt  }
0x87: {  	_ =	shalt  }
.Lfunc_end0:
.L_simem_size_0:
called_computation_lowered:
.L_overlay_start_0:
0x88: {  	s0 =	sld [smem:$0x3FD9]  }
0x89: {  	s1 =	sld [smem:$0x3FFE];
	_ =	sdelay $0x3  }
0x8a: {  	s0 =	sadd.s32 s1, s0  }
0x8b: {  	[smem:$0x3FC6] =	sst s0  }
0x8c: {  	_ = 	snop  }
0x8d: {  	s0 =	sld [smem:$0x3FC9]  }
0x8e: {  	s17 =	sld [smem:$0x3FC8]  }
0x8f: {  	s2 =	sld [smem:$0x3FD0];
	(tm) =	ssettm $0x1  }
0x90: {  	s3 =	sld [smem:$0x3FFB];
	_ =	sdelay $0x3  }
0x91: {  	_ =	strace s3  }
0x92: {  	s3 =	sld [smem:$0x3FFC];
	_ =	sdelay $0x3  }
0x93: {  	_ =	strace s3  }
0x94: {  	s3 =	sld [smem:$0x3FFD];
	_ =	sdelay $0x3  }
0x95: {  	_ =	strace s3  }
0x96: {  	_ =	strace $0x8FFFFFFF  }
0x97: {  	s18 =	sld [smem:$0x3FDB];
	_ =	sdelay $0x1  }
0x98: {  	s4 =	simm.s32 $_scs_section_size  }
0x99: {  	s5 =	simm.s32 $_size__tile_overlayer_lowered;
	s6 =	simm.s32 $_tile_overlayer_lowered  }
0x9a: {  	s21 =	simm.s32 $0x1BFF;
	s20 =	sshll.u32 s6, $0x1;
	s3 =	sadd.s32 s4, s18  }
0x9b: {  	s7 =	simm.s32 $0x0;
	s19 =	sshll.u32 s5, $0x1;
	s5 =	sadd.s32 s20, s3  }
0x9c: {  	[timem:s7], [sflag:s21] =	dma.local [hbm:s5], s19  }
0x9d: {  	_ =	swait.ge [sflag:s21], s19  }
0x9e: {  	s4 =	ssub.s32 $0x0, s19;
	[sflag:s21] =	ssyncset.done $0x0  }
0x9f: {  	[sflag:s21] =	ssyncadd.s32 s4;
	_ =	sdelay $0x1  }
0xa0: {  	s22 =	simm.s32 $0x1B8B  }
0xa1: {  	_ =	swait.ge [sflag:s22], $0x1  }
0xa2: {  	[sflag:s22] =	ssyncset.done $0x0  }
0xa3: {  	s23 =	simm.s32 $0x1B8E;
	[sflag:s22] =	ssyncadd.s32 $0xFFFFFFFF  }
0xa4: {  	s24 =	simm.s32 $execute0_lowered;
	[smem:$0x3FD2] =	sst s23  }
0xa5: {  	s4 =	sshll.u32 s24, $0x1;
	_ =	strace $0x80000046;
	[dreg:$0x1] =	wrdreg $0xFFFFFFFF  }
0xa6: {  	s25 =	simm.s32 $_size_execute0_lowered;
	s3 =	sadd.s32 s3, s4;
	[dreg:$0x0] =	wrdreg $0x0  }
0xa7: {  	s4 =	sshll.u32 s25, $0x1;
	[dreg:$0x2] =	wrdreg s3  }
0xa8: {  	[dreg:$0x3] =	wrdreg s4  }
0xa9: {  	[dreg:$0x4] =	wrdreg $0xC0  }
0xaa: {  	_ =	task [dreg:s7], $0x5FFFF  }
0xab: {  	[dreg:$0x1] =	wrdreg $0xFFFFFFFF  }
0xac: {  	[dreg:$0x0] =	wrdreg $0x60  }
0xad: {  	[dreg:$0x2] =	wrdreg s17  }
0xae: {  	[dreg:$0x3] =	wrdreg s0  }
0xaf: {  	[dreg:$0x4] =	wrdreg s2  }
0xb0: {  	[dreg:$0x5] =	wrdreg $0x9  }
0xb1: {  	_ =	task.clear_ibuf [dreg:s7], $0x6FFFF;
	_ =	strace $0x90000046  }
0xb2: {  	s26 =	simm.s32 $0x9;
	_ =	strace $0x80000048  }
0xb3: {  	_ =	swait.ge [sflag:s26], $0x1  }
0xb4: {  	[sflag:s26] =	ssyncadd.s32 $0xFFFFFFFF  }
0xb5: {  	_ =	strace $0x90000048  }
0xb6: {  	_ =	sfence  }
0xb7: {  	s28 =	sld [smem:$0x0];
	_ =	sdelay $0x1  }
0xb8: {  	s29 =	srdreg.scid  }
0xb9: {  	s30 =	sshll.u32 s29, $0xD;
	s31 =	sshrl.u32 s29, $0x2  }
0xba: {  	s1 =	sand.u32 $0x1, s29;
	s2 =	sand.u32 $0x4000, s30;
	s0 =	sadd.s32 s31, s28  }
0xbb: {  	s1 =	sor.u32 s2, s1;
	s0 =	sshll.u32 s0, $0x11  }
0xbc: {  	s0 =	sor.u32 s0, s1  }
0xbd: {  	s0 =	sadd.s32 $0x8F2B, s0  }
0xbe: {  	[sflag:s0] =	ssyncadd.remote.s32 $0x1  }
0xbf: {  	_ =	sfence.sel $0xFFFF  }
0xc0: {  	[dreg:$0x0] =	wrdreg $0xFFFFFFFF;
	(pc) =	sbr.abs _section_cstart, $3  }
0xc1: {  	[dreg:$0x1] =	wrdreg $0xFFFFFFFF  }
0xc2: {  	_ =	task.clear_ibuf [dreg:s7], $0x2FFFF;
	_ =	strace $0x9FFFFFFF  }
0xc3: {  	(tm) =	ssettm $0x7FFFFFFF  }
tec
execute0_lowered:
.L_overlay_start_1:
0x0: {  	(tag) =	ssettag $0x1  }
0x1: {  	s5 =	rddreg [dreg:$0x0]  }
0x2: {  	s6 =	rddreg [dreg:$0x1]  }
0x3: {  	s3 =	rddreg [dreg:$0x2];
	s2 =	simm.s32 $0x0  }
0x4: {  	s1 =	stileid.u32;
	[smem:$0x7FF] =	sst s2  }
0x5: {  	s0 =	rddreg [dreg:$0x3];
	s4 =	sshll.u32 s1, $0x7;
	_ =	strace $0x80000047  }
0x6: {  	[tilespmem:s2], [sflag:$0x1] =	stream.linear.gather [hbm4b:s5+s2], $0x400, $0x38;
	[tilespmem:$0xC00] =	vst v63  }
0x7: {  	s25 =	simm.s32 $0x400;
	s26 =	simm.s32 $0x2;
	s24 =	sadd.s32 s6, s4  }
0x8: {  	[tilespmem:s25], [sflag:$0x2] =	stream.linear.gather [hbm4b:s24+s2], $0x400, $0x38;
	[tilespmem:$0xC00] =	vst v63  }
0x9: {  	_ =	swait.ge [sflag:s26], $0x400  }
0xa: {  	[sflag:s26] =	ssyncset.done $0x0  }
0xb: {  	s28 =	simm.s32 $0x1;
	[sflag:s26] =	ssyncadd.s32 $0xFFFFFC00  }
0xc: {  	_ =	swait.ge [sflag:s28], $0x400  }
0xd: {  	[sflag:s28] =	ssyncset.done $0x0  }
0xe: {  	[sflag:s28] =	ssyncadd.s32 $0xFFFFFC00  }
0xf: {  	v0 =	vld [tilespmem:$0x400];
	_ =	sdelay $0x5  }
0x10: {  	v1 =	vld [tilespmem:$0x410];
	_ =	sdelay $0x1  }
0x11: {  	v0 =	vld.idx.msk [tilespmem:v0+s2+$0x0], $0xffff;
	_ =	sdelay $0x3  }
0x12: {  	v2 =	vld [tilespmem:$0x420]  }
0x13: {  	[tilespmem:$0x800] =	vst v0  }
0x14: {  	v0 =	vld.idx.msk [tilespmem:v1+s2+$0x0], $0xffff;
	_ =	sdelay $0x3  }
0x15: {  	v63 =	vld [tilespmem:$0x430]  }
0x16: {  	[tilespmem:$0x810] =	vst v0  }
0x17: {  	v0 =	vld.idx.msk [tilespmem:v2+s2+$0x0], $0xffff;
	_ =	sdelay $0x3  }
0x18: {  	v4 =	vld [tilespmem:$0x440]  }
0x19: {  	[tilespmem:$0x820] =	vst v0  }
0x1a: {  	v0 =	vld.idx.msk [tilespmem:v63+s2+$0x0], $0xffff;
	_ =	sdelay $0x3  }
0x1b: {  	v5 =	vld [tilespmem:$0x450]  }
0x1c: {  	[tilespmem:$0x830] =	vst v0  }
0x1d: {  	v0 =	vld.idx.msk [tilespmem:v4+s2+$0x0], $0xffff;
	_ =	sdelay $0x3  }
0x1e: {  	v6 =	vld [tilespmem:$0x460]  }
0x1f: {  	[tilespmem:$0x840] =	vst v0  }
0x20: {  	v0 =	vld.idx.msk [tilespmem:v5+s2+$0x0], $0xffff;
	_ =	sdelay $0x3  }
0x21: {  	v7 =	vld [tilespmem:$0x470]  }
0x22: {  	[tilespmem:$0x850] =	vst v0  }
0x23: {  	v0 =	vld.idx.msk [tilespmem:v6+s2+$0x0], $0xffff;
	_ =	sdelay $0x3  }
0x24: {  	v8 =	vld [tilespmem:$0x480]  }
0x25: {  	[tilespmem:$0x860] =	vst v0  }
0x26: {  	v0 =	vld.idx.msk [tilespmem:v7+s2+$0x0], $0xffff;
	_ =	sdelay $0x3  }
0x27: {  	v9 =	vld [tilespmem:$0x490]  }
0x28: {  	[tilespmem:$0x870] =	vst v0  }
0x29: {  	v0 =	vld.idx.msk [tilespmem:v8+s2+$0x0], $0xffff;
	_ =	sdelay $0x3  }
0x2a: {  	v10 =	vld [tilespmem:$0x4A0]  }
0x2b: {  	[tilespmem:$0x880] =	vst v0  }
0x2c: {  	v0 =	vld.idx.msk [tilespmem:v9+s2+$0x0], $0xffff;
	_ =	sdelay $0x3  }
0x2d: {  	v11 =	vld [tilespmem:$0x4B0]  }
0x2e: {  	[tilespmem:$0x890] =	vst v0  }
0x2f: {  	v0 =	vld.idx.msk [tilespmem:v10+s2+$0x0], $0xffff;
	_ =	sdelay $0x3  }
0x30: {  	v12 =	vld [tilespmem:$0x4C0]  }
0x31: {  	[tilespmem:$0x8A0] =	vst v0  }
0x32: {  	v0 =	vld.idx.msk [tilespmem:v11+s2+$0x0], $0xffff;
	_ =	sdelay $0x3  }
0x33: {  	v13 =	vld [tilespmem:$0x4D0]  }
0x34: {  	[tilespmem:$0x8B0] =	vst v0  }
0x35: {  	v0 =	vld.idx.msk [tilespmem:v12+s2+$0x0], $0xffff;
	_ =	sdelay $0x3  }
0x36: {  	v14 =	vld [tilespmem:$0x4E0]  }
0x37: {  	[tilespmem:$0x8C0] =	vst v0  }
0x38: {  	v0 =	vld.idx.msk [tilespmem:v13+s2+$0x0], $0xffff;
	_ =	sdelay $0x3  }
0x39: {  	v15 =	vld [tilespmem:$0x4F0]  }
0x3a: {  	[tilespmem:$0x8D0] =	vst v0  }
0x3b: {  	v0 =	vld.idx.msk [tilespmem:v14+s2+$0x0], $0xffff;
	_ =	sdelay $0x3  }
0x3c: {  	v16 =	vld [tilespmem:$0x500]  }
0x3d: {  	[tilespmem:$0x8E0] =	vst v0  }
0x3e: {  	v0 =	vld.idx.msk [tilespmem:v15+s2+$0x0], $0xffff;
	_ =	sdelay $0x3  }
0x3f: {  	v17 =	vld [tilespmem:$0x510]  }
0x40: {  	[tilespmem:$0x8F0] =	vst v0  }
0x41: {  	v0 =	vld.idx.msk [tilespmem:v16+s2+$0x0], $0xffff;
	_ =	sdelay $0x3  }
0x42: {  	v18 =	vld [tilespmem:$0x520]  }
0x43: {  	[tilespmem:$0x900] =	vst v0  }
0x44: {  	v0 =	vld.idx.msk [tilespmem:v17+s2+$0x0], $0xffff;
	_ =	sdelay $0x3  }
0x45: {  	v19 =	vld [tilespmem:$0x530]  }
0x46: {  	[tilespmem:$0x910] =	vst v0  }
0x47: {  	v0 =	vld.idx.msk [tilespmem:v18+s2+$0x0], $0xffff;
	_ =	sdelay $0x3  }
0x48: {  	v20 =	vld [tilespmem:$0x540]  }
0x49: {  	[tilespmem:$0x920] =	vst v0  }
0x4a: {  	v0 =	vld.idx.msk [tilespmem:v19+s2+$0x0], $0xffff;
	_ =	sdelay $0x3  }
0x4b: {  	v21 =	vld [tilespmem:$0x550]  }
0x4c: {  	[tilespmem:$0x930] =	vst v0  }
0x4d: {  	v0 =	vld.idx.msk [tilespmem:v20+s2+$0x0], $0xffff;
	_ =	sdelay $0x3  }
0x4e: {  	v22 =	vld [tilespmem:$0x560]  }
0x4f: {  	[tilespmem:$0x940] =	vst v0  }
0x50: {  	v0 =	vld.idx.msk [tilespmem:v21+s2+$0x0], $0xffff;
	_ =	sdelay $0x3  }
0x51: {  	v23 =	vld [tilespmem:$0x570]  }
0x52: {  	[tilespmem:$0x950] =	vst v0  }
0x53: {  	v0 =	vld.idx.msk [tilespmem:v22+s2+$0x0], $0xffff;
	_ =	sdelay $0x3  }
0x54: {  	v24 =	vld [tilespmem:$0x580]  }
0x55: {  	[tilespmem:$0x960] =	vst v0  }
0x56: {  	v0 =	vld.idx.msk [tilespmem:v23+s2+$0x0], $0xffff;
	_ =	sdelay $0x3  }
0x57: {  	v25 =	vld [tilespmem:$0x590]  }
0x58: {  	[tilespmem:$0x970] =	vst v0  }
0x59: {  	v0 =	vld.idx.msk [tilespmem:v24+s2+$0x0], $0xffff;
	_ =	sdelay $0x3  }
0x5a: {  	v26 =	vld [tilespmem:$0x5A0]  }
0x5b: {  	[tilespmem:$0x980] =	vst v0  }
0x5c: {  	v0 =	vld.idx.msk [tilespmem:v25+s2+$0x0], $0xffff;
	_ =	sdelay $0x3  }
0x5d: {  	v27 =	vld [tilespmem:$0x5B0]  }
0x5e: {  	[tilespmem:$0x990] =	vst v0  }
0x5f: {  	v0 =	vld.idx.msk [tilespmem:v26+s2+$0x0], $0xffff;
	_ =	sdelay $0x3  }
0x60: {  	v28 =	vld [tilespmem:$0x5C0]  }
0x61: {  	[tilespmem:$0x9A0] =	vst v0  }
0x62: {  	v0 =	vld.idx.msk [tilespmem:v27+s2+$0x0], $0xffff;
	_ =	sdelay $0x3  }
0x63: {  	v29 =	vld [tilespmem:$0x5D0]  }
0x64: {  	[tilespmem:$0x9B0] =	vst v0  }
0x65: {  	v0 =	vld.idx.msk [tilespmem:v28+s2+$0x0], $0xffff;
	_ =	sdelay $0x3  }
0x66: {  	v30 =	vld [tilespmem:$0x5E0]  }
0x67: {  	[tilespmem:$0x9C0] =	vst v0  }
0x68: {  	v0 =	vld.idx.msk [tilespmem:v29+s2+$0x0], $0xffff;
	_ =	sdelay $0x3  }
0x69: {  	v31 =	vld [tilespmem:$0x5F0]  }
0x6a: {  	[tilespmem:$0x9D0] =	vst v0  }
0x6b: {  	v0 =	vld.idx.msk [tilespmem:v30+s2+$0x0], $0xffff;
	_ =	sdelay $0x4  }
0x6c: {  	[tilespmem:$0x9E0] =	vst v0  }
0x6d: {  	v0 =	vld.idx.msk [tilespmem:v31+s2+$0x0], $0xffff;
	_ =	sdelay $0x4  }
0x6e: {  	s29 =	simm.s32 $0x800;
	s3 =	sadd.s32 s3, s4;
	[tilespmem:$0x9F0] =	vst v0  }
0x6f: {  	[hbm4b:s3+s2] =	stream.linear.scatter [tilespmem:s29], [sflag:$0x3], $0x200, $0x38;
	[tilespmem:$0xC00] =	vst v63  }
0x70: {  	v32 =	vld [tilespmem:$0x600];
	_ =	sdelay $0x5  }
0x71: {  	v33 =	vld [tilespmem:$0x610];
	_ =	sdelay $0x1  }
0x72: {  	v0 =	vld.idx.msk [tilespmem:v32+s2+$0x0], $0xffff;
	_ =	sdelay $0x3  }
0x73: {  	v34 =	vld [tilespmem:$0x620]  }
0x74: {  	[tilespmem:$0xA00] =	vst v0  }
0x75: {  	v0 =	vld.idx.msk [tilespmem:v33+s2+$0x0], $0xffff;
	_ =	sdelay $0x3  }
0x76: {  	v35 =	vld [tilespmem:$0x630]  }
0x77: {  	[tilespmem:$0xA10] =	vst v0  }
0x78: {  	v0 =	vld.idx.msk [tilespmem:v34+s2+$0x0], $0xffff;
	_ =	sdelay $0x3  }
0x79: {  	v36 =	vld [tilespmem:$0x640]  }
0x7a: {  	[tilespmem:$0xA20] =	vst v0  }
0x7b: {  	v0 =	vld.idx.msk [tilespmem:v35+s2+$0x0], $0xffff;
	_ =	sdelay $0x3  }
0x7c: {  	v37 =	vld [tilespmem:$0x650]  }
0x7d: {  	[tilespmem:$0xA30] =	vst v0  }
0x7e: {  	v0 =	vld.idx.msk [tilespmem:v36+s2+$0x0], $0xffff;
	_ =	sdelay $0x3  }
0x7f: {  	v38 =	vld [tilespmem:$0x660]  }
0x80: {  	[tilespmem:$0xA40] =	vst v0  }
0x81: {  	v0 =	vld.idx.msk [tilespmem:v37+s2+$0x0], $0xffff;
	_ =	sdelay $0x3  }
0x82: {  	v39 =	vld [tilespmem:$0x670]  }
0x83: {  	[tilespmem:$0xA50] =	vst v0  }
0x84: {  	v0 =	vld.idx.msk [tilespmem:v38+s2+$0x0], $0xffff;
	_ =	sdelay $0x3  }
0x85: {  	v40 =	vld [tilespmem:$0x680]  }
0x86: {  	[tilespmem:$0xA60] =	vst v0  }
0x87: {  	v0 =	vld.idx.msk [tilespmem:v39+s2+$0x0], $0xffff;
	_ =	sdelay $0x3  }
0x88: {  	v41 =	vld [tilespmem:$0x690]  }
0x89: {  	[tilespmem:$0xA70] =	vst v0  }
0x8a: {  	v0 =	vld.idx.msk [tilespmem:v40+s2+$0x0], $0xffff;
	_ =	sdelay $0x3  }
0x8b: {  	v42 =	vld [tilespmem:$0x6A0]  }
0x8c: {  	[tilespmem:$0xA80] =	vst v0  }
0x8d: {  	v0 =	vld.idx.msk [tilespmem:v41+s2+$0x0], $0xffff;
	_ =	sdelay $0x3  }
0x8e: {  	v43 =	vld [tilespmem:$0x6B0]  }
0x8f: {  	[tilespmem:$0xA90] =	vst v0  }
0x90: {  	v0 =	vld.idx.msk [tilespmem:v42+s2+$0x0], $0xffff;
	_ =	sdelay $0x3  }
0x91: {  	v44 =	vld [tilespmem:$0x6C0]  }
0x92: {  	[tilespmem:$0xAA0] =	vst v0  }
0x93: {  	v0 =	vld.idx.msk [tilespmem:v43+s2+$0x0], $0xffff;
	_ =	sdelay $0x3  }
0x94: {  	v45 =	vld [tilespmem:$0x6D0]  }
0x95: {  	[tilespmem:$0xAB0] =	vst v0  }
0x96: {  	v0 =	vld.idx.msk [tilespmem:v44+s2+$0x0], $0xffff;
	_ =	sdelay $0x3  }
0x97: {  	v46 =	vld [tilespmem:$0x6E0]  }
0x98: {  	[tilespmem:$0xAC0] =	vst v0  }
0x99: {  	v0 =	vld.idx.msk [tilespmem:v45+s2+$0x0], $0xffff;
	_ =	sdelay $0x3  }
0x9a: {  	v47 =	vld [tilespmem:$0x6F0]  }
0x9b: {  	[tilespmem:$0xAD0] =	vst v0  }
0x9c: {  	v0 =	vld.idx.msk [tilespmem:v46+s2+$0x0], $0xffff;
	_ =	sdelay $0x3  }
0x9d: {  	v48 =	vld [tilespmem:$0x700]  }
0x9e: {  	[tilespmem:$0xAE0] =	vst v0  }
0x9f: {  	v0 =	vld.idx.msk [tilespmem:v47+s2+$0x0], $0xffff;
	_ =	sdelay $0x3  }
0xa0: {  	v49 =	vld [tilespmem:$0x710]  }
0xa1: {  	[tilespmem:$0xAF0] =	vst v0  }
0xa2: {  	v0 =	vld.idx.msk [tilespmem:v48+s2+$0x0], $0xffff;
	_ =	sdelay $0x3  }
0xa3: {  	v50 =	vld [tilespmem:$0x720]  }
0xa4: {  	[tilespmem:$0xB00] =	vst v0  }
0xa5: {  	v0 =	vld.idx.msk [tilespmem:v49+s2+$0x0], $0xffff;
	_ =	sdelay $0x3  }
0xa6: {  	v51 =	vld [tilespmem:$0x730]  }
0xa7: {  	[tilespmem:$0xB10] =	vst v0  }
0xa8: {  	v0 =	vld.idx.msk [tilespmem:v50+s2+$0x0], $0xffff;
	_ =	sdelay $0x3  }
0xa9: {  	v52 =	vld [tilespmem:$0x740]  }
0xaa: {  	[tilespmem:$0xB20] =	vst v0  }
0xab: {  	v0 =	vld.idx.msk [tilespmem:v51+s2+$0x0], $0xffff;
	_ =	sdelay $0x3  }
0xac: {  	v53 =	vld [tilespmem:$0x750]  }
0xad: {  	[tilespmem:$0xB30] =	vst v0  }
0xae: {  	v0 =	vld.idx.msk [tilespmem:v52+s2+$0x0], $0xffff;
	_ =	sdelay $0x3  }
0xaf: {  	v54 =	vld [tilespmem:$0x760]  }
0xb0: {  	[tilespmem:$0xB40] =	vst v0  }
0xb1: {  	v0 =	vld.idx.msk [tilespmem:v53+s2+$0x0], $0xffff;
	_ =	sdelay $0x3  }
0xb2: {  	v55 =	vld [tilespmem:$0x770]  }
0xb3: {  	[tilespmem:$0xB50] =	vst v0  }
0xb4: {  	v0 =	vld.idx.msk [tilespmem:v54+s2+$0x0], $0xffff;
	_ =	sdelay $0x3  }
0xb5: {  	v56 =	vld [tilespmem:$0x780]  }
0xb6: {  	[tilespmem:$0xB60] =	vst v0  }
0xb7: {  	v0 =	vld.idx.msk [tilespmem:v55+s2+$0x0], $0xffff;
	_ =	sdelay $0x3  }
0xb8: {  	v57 =	vld [tilespmem:$0x790]  }
0xb9: {  	[tilespmem:$0xB70] =	vst v0  }
0xba: {  	v0 =	vld.idx.msk [tilespmem:v56+s2+$0x0], $0xffff;
	_ =	sdelay $0x3  }
0xbb: {  	v58 =	vld [tilespmem:$0x7A0]  }
0xbc: {  	[tilespmem:$0xB80] =	vst v0  }
0xbd: {  	v0 =	vld.idx.msk [tilespmem:v57+s2+$0x0], $0xffff;
	_ =	sdelay $0x3  }
0xbe: {  	v59 =	vld [tilespmem:$0x7B0]  }
0xbf: {  	[tilespmem:$0xB90] =	vst v0  }
0xc0: {  	v0 =	vld.idx.msk [tilespmem:v58+s2+$0x0], $0xffff;
	_ =	sdelay $0x3  }
0xc1: {  	v60 =	vld [tilespmem:$0x7C0]  }
0xc2: {  	[tilespmem:$0xBA0] =	vst v0  }
0xc3: {  	v0 =	vld.idx.msk [tilespmem:v59+s2+$0x0], $0xffff;
	_ =	sdelay $0x3  }
0xc4: {  	v61 =	vld [tilespmem:$0x7D0]  }
0xc5: {  	[tilespmem:$0xBB0] =	vst v0  }
0xc6: {  	v0 =	vld.idx.msk [tilespmem:v60+s2+$0x0], $0xffff;
	_ =	sdelay $0x3  }
0xc7: {  	v62 =	vld [tilespmem:$0x7E0]  }
0xc8: {  	[tilespmem:$0xBC0] =	vst v0  }
0xc9: {  	v0 =	vld.idx.msk [tilespmem:v61+s2+$0x0], $0xffff;
	_ =	sdelay $0x3  }
0xca: {  	v63 =	vld [tilespmem:$0x7F0]  }
0xcb: {  	[tilespmem:$0xBD0] =	vst v0  }
0xcc: {  	v0 =	vld.idx.msk [tilespmem:v62+s2+$0x0], $0xffff;
	_ =	sdelay $0x4  }
0xcd: {  	[tilespmem:$0xBE0] =	vst v0  }
0xce: {  	v0 =	vld.idx.msk [tilespmem:v63+s2+$0x0], $0xffff;
	_ =	sdelay $0x4  }
0xcf: {  	s30 =	simm.s32 $0xA00;
	s31 =	simm.s32 $0x3;
	s3 =	sadd.s32 $0x40, s3;
	[tilespmem:$0xBF0] =	vst v0  }
0xd0: {  	[hbm4b:s3+s2] =	stream.linear.scatter [tilespmem:s30], [sflag:$0x3], $0x200, $0x38;
	[tilespmem:$0xC00] =	vst v63  }
0xd1: {  	_ =	swait.ge [sflag:s31], $0x200  }
0xd2: {  	[sflag:s31] =	ssyncset.done $0x0  }
0xd3: {  	[sflag:s31] =	ssyncadd.s32 $0xFFFFFE00  }
0xd4: {  	_ =	swait.ge [sflag:s31], $0x200  }
0xd5: {  	[sflag:s31] =	ssyncset.done $0x0  }
0xd6: {  	[sflag:s31] =	ssyncadd.s32 $0xFFFFFE00  }
0xd7: {  	_ =	sfence.sel $0x180000  }
0xd8: {  	[bflag:$0x0] =	sbarrier.arrive $0xFFFF  }
0xd9: {  	p0 =	sne.s32 s1, $0x0;
	_ =	strace $0x90000047  }
0xda: {  	s0 =	sadd.s32 @!p0 $0x100000, s0;
	[bflag:$0x2] =	sbarrier.arrive $0xFFFF  }
0xdb: {  	[sflag:s0] =	ssyncadd.tile.s32 @!p0 $0x1;
	_ =	shalt  }
.Lfunc_end2:
_tile_overlayer_lowered:
.L_overlay_start_2:
0xdc: {  	(tag) =	ssettag $0x2  }
0xdd: {  	s0 =	rddreg [dreg:$0x0];
	s2 =	stileid.u32  }
0xde: {  	s1 =	rddreg [dreg:$0x1];
	p0 =	sne.s32 s2, $0x0  }
0xdf: {  	s3 =	rddreg [dreg:$0x2];
	[bflag:$0x3] =	sbarrier.arrive $0xFFFF;
	s2 =	simm.s32 @!p0 $0x1C04  }
0xe0: {  	[timem:s3], [sflag:s2] =	dma.local @!p0 [hbm:s0], s1  }
0xe1: {  	s0 =	simm.s32 @!p0 $0x4  }
0xe2: {  	_ =	swait.ge @!p0 [sflag:s0], s1  }
0xe3: {  	s1 =	ssub.s32 @!p0 $0x0, s1;
	[sflag:s0] =	ssyncset.done @!p0 $0x0  }
0xe4: {  	[sflag:s0] =	ssyncadd.s32 @!p0 s1  }
0xe5: {  	[bflag:$0x3] =	sbarrier.arrive $0xFFFF  }
0xe6: {  	_ =	shalt  }

</sc_bundles>
